<compile_context>
chip_gen: v7x
topology: tpu7x:2x2x1
jax: 0.10.2.dev20260603
libtpu: 0.0.44.dev20260713+nightly
codegen_flags: <defaults>
</compile_context>

<pallas_src>
import jax
import jax.numpy as jnp
from jax import lax
from jax.experimental import pallas as pl
from jax.experimental.pallas import tpu as pltpu
from jax.experimental.pallas import tpu_sc as plsc

N_FIELDS = 26
VOCAB = 100000
EMB_DIM = 32
BATCH = 16384

NC = 2
NS = 16
NW = NC * NS
TOTAL = BATCH * N_FIELDS
PER_W = TOTAL // NW
CHUNK = 256
NCH = PER_W // CHUNK
K = 2
NGRP = NCH // K
NPAIR = NGRP // 2


def _gather_body(idx_hbm, tab_hbm, out_hbm, idx_v, rows_v,
                 gsem0, gsem1, wsem0, wsem1):
    wid = lax.axis_index("s") * NC + lax.axis_index("c")
    base_chunk = wid * NCH

    def fire_gathers(grp, set_, sem):
        for b in range(K):
            pltpu.async_copy(tab_hbm.at[idx_v.at[grp * K + b]],
                             rows_v.at[set_, b], sem)

    def wait_gathers(set_, sem):
        for b in range(K):
            pltpu.make_async_copy(tab_hbm.at[idx_v.at[0]],
                                  rows_v.at[set_, b], sem).wait()

    def fire_wouts(grp, set_, sem):
        for b in range(K):
            c = base_chunk + grp * K + b
            pltpu.async_copy(rows_v.at[set_, b],
                             out_hbm.at[pl.ds(c * CHUNK, CHUNK)], sem)

    def wait_wouts(set_, sem):
        for b in range(K):
            pltpu.make_async_copy(rows_v.at[set_, b],
                                  out_hbm.at[pl.ds(0, CHUNK)], sem).wait()

    pltpu.sync_copy(idx_hbm.at[pl.ds(wid * NCH, NCH)], idx_v)
    fire_gathers(0, 0, gsem0)

    def pair(j, carry):
        g0 = 2 * j
        g1 = 2 * j + 1

        @pl.when(j > 0)
        def _():
            wait_wouts(1, wsem1)
        fire_gathers(g1, 1, gsem1)
        wait_gathers(0, gsem0)
        fire_wouts(g0, 0, wsem0)
        wait_wouts(0, wsem0)

        @pl.when(g0 + 2 < NGRP)
        def _():
            fire_gathers(g0 + 2, 0, gsem0)
        wait_gathers(1, gsem1)
        fire_wouts(g1, 1, wsem1)
        return carry

    lax.fori_loop(0, NPAIR, pair, 0)
    wait_wouts(1, wsem1)


def kernel(indices, tables):
    flat_tables = tables.reshape(N_FIELDS * VOCAB, EMB_DIM)
    offsets = jnp.arange(N_FIELDS, dtype=jnp.int32) * VOCAB
    flat_idx = (indices.astype(jnp.int32) + offsets[None, :]).reshape(
        TOTAL // CHUNK, CHUNK)

    mesh = plsc.VectorSubcoreMesh(core_axis_name="c", subcore_axis_name="s")
    out = pl.kernel(
        _gather_body,
        mesh=mesh,
        out_type=jax.ShapeDtypeStruct((TOTAL, EMB_DIM), jnp.float32),
        scratch_types=[
            pltpu.VMEM((NCH, CHUNK), jnp.int32),
            pltpu.VMEM((2, K, CHUNK, EMB_DIM), jnp.float32),
            pltpu.SemaphoreType.DMA,
            pltpu.SemaphoreType.DMA,
            pltpu.SemaphoreType.DMA,
            pltpu.SemaphoreType.DMA,
        ],
        compiler_params=pltpu.CompilerParams(use_tc_tiling_on_sc=False),
    )(flat_idx, flat_tables)
    return out.reshape(BATCH, N_FIELDS * EMB_DIM)

# --- scband reference (transcript-rebuilt; emitter-appended) ---
"""Pipeline reference for scband-event-encoder-22969485099399 (READ-ONLY COPY).

The authoritative reference and input builder live on the scoring server;
editing this copy changes nothing except your own understanding.
"""

import jax, jax.numpy as jnp
import numpy as np

N_FIELDS = 26
VOCAB = 100000
EMB_DIM = 32
BATCH = 16384


def setup_inputs(seed: int = 0) -> dict:
    key = jax.random.key(seed)
    k1, k2 = jax.random.split(key)
    # categorical indices for each of the 26 sparse fields
    indices = jax.random.randint(k1, (BATCH, N_FIELDS), 0, VOCAB)
    # 26 embedding tables, each [VOCAB, EMB_DIM] (stacked along axis 0)
    tables = jax.random.normal(k2, (N_FIELDS, VOCAB, EMB_DIM), dtype=jnp.float32) * 0.02
    return {"indices": indices, "tables": tables}


def reference(indices, tables):
    # EventEncoder forward: look up each categorical feature in its own
    # nn.Embedding table, then concatenate the per-field embeddings.
    B, F = indices.shape
    flat_tables = tables.reshape(N_FIELDS * VOCAB, EMB_DIM)
    offsets = jnp.arange(N_FIELDS, dtype=indices.dtype) * VOCAB
    flat_idx = indices + offsets[None, :]  # [B, F]
    gathered = jnp.take(flat_tables, flat_idx, axis=0)  # [B, F, EMB_DIM]
    out = gathered.reshape(B, F * EMB_DIM)  # concat over fields
    return out

if __name__ == "__main__":
    import jax
    _d = setup_inputs()
    print(jax.jit(kernel)(*tuple(_d.values())))

</pallas_src>

<mosaic_0001>
#map = affine_map<(d0, d1) -> (0, 0)>
module attributes {stable_mosaic.version = 14 : i64} {
  func.func @_gather_body(%arg0: i32, %arg1: i32, %arg2: memref<1664x256xi32, #tpu.memory_space<hbm>>, %arg3: memref<2600000x32xf32, #tpu.memory_space<hbm>>, %arg4: memref<425984x32xf32, #tpu.memory_space<hbm>>, %arg5: memref<52x256xi32, #tpu.memory_space<vmem>>, %arg6: memref<2x2x256x32xf32, #tpu.memory_space<vmem>>, %arg7: memref<!tpu.dma_semaphore, #tpu.memory_space<semaphore_mem>>, %arg8: memref<!tpu.dma_semaphore, #tpu.memory_space<semaphore_mem>>, %arg9: memref<!tpu.dma_semaphore, #tpu.memory_space<semaphore_mem>>, %arg10: memref<!tpu.dma_semaphore, #tpu.memory_space<semaphore_mem>>) attributes {dimension_semantics = [#tpu.dimension_semantics<core_parallel>, #tpu.dimension_semantics<subcore_parallel>], iteration_bounds = array<i64: 2, 16>, scalar_prefetch = 0 : i64, scratch_operands = 6 : i64, tpu.core_type = #tpu.core_type<sc_vector_subcore>, window_params = [{transform_indices = #map}, {transform_indices = #map}, {transform_indices = #map}]} {
    %mul3A = arith.constant 2 : i32
    %mul3A_0 = arith.muli %arg1, %mul3A : i32
    %add3A = arith.addi %mul3A_0, %arg0 : i32
    %mul3A_1 = arith.constant 52 : i32
    %mul3A_2 = arith.muli %add3A, %mul3A_1 : i32
    %mul3A_3 = arith.constant 52 : i32
    %mul3A_4 = arith.muli %add3A, %mul3A_3 : i32
    "tpu.region"() ({
      %run_scoped3A = tpu.sem_alloc : memref<!tpu.dma_semaphore, #tpu.memory_space<semaphore_mem>>
      %dma_start3A_66 = arith.constant 0 : i32
      %dma_start3A_67 = tpu.memref_slice %arg2[%mul3A_4, %dma_start3A_66] : memref<1664x256xi32, #tpu.memory_space<hbm>> -> memref<52x256xi32, #tpu.memory_space<hbm>>
      %dma_start3A_68 = arith.constant 0 : i32
      %dma_start3A_69 = tpu.memref_slice %arg2[%mul3A_4, %dma_start3A_68] : memref<1664x256xi32, #tpu.memory_space<hbm>> -> memref<52x256xi32, #tpu.memory_space<hbm>>
      tpu.enqueue_dma source(%dma_start3A_69 : memref<52x256xi32, #tpu.memory_space<hbm>>) target(%arg5 : memref<52x256xi32, #tpu.memory_space<vmem>>) target_semaphore(%run_scoped3A : memref<!tpu.dma_semaphore, #tpu.memory_space<semaphore_mem>>)
      %dma_wait3A_70 = arith.constant 0 : i32
      %dma_wait3A_71 = tpu.memref_slice %arg2[%mul3A_4, %dma_wait3A_70] : memref<1664x256xi32, #tpu.memory_space<hbm>> -> memref<52x256xi32, #tpu.memory_space<hbm>>
      %dma_wait3A_72 = arith.constant 0 : i32
      %dma_wait3A_73 = tpu.memref_slice %arg2[%mul3A_4, %dma_wait3A_72] : memref<1664x256xi32, #tpu.memory_space<hbm>> -> memref<52x256xi32, #tpu.memory_space<hbm>>
      tpu.wait_dma2 semaphore(%run_scoped3A : memref<!tpu.dma_semaphore, #tpu.memory_space<semaphore_mem>>) src(%dma_wait3A_73 : memref<52x256xi32, #tpu.memory_space<hbm>>) dst(%arg5 : memref<52x256xi32, #tpu.memory_space<vmem>>)
      tpu.yield
    }) : () -> ()
    %dma_start3A = arith.constant 0 : i32
    %dma_start3A_5 = arith.constant 0 : i32
    %dma_start3A_6 = arith.constant 0 : i32
    %dma_start3A_7 = arith.constant 0 : i32
    %dma_start3A_8 = arith.constant 0 : i32
    %dma_start3A_9 = tpu.memref_slice %arg6[%dma_start3A_5, %dma_start3A_6, %dma_start3A_7, %dma_start3A_8] : memref<2x2x256x32xf32, #tpu.memory_space<vmem>> -> memref<1x1x256x32xf32, #tpu.memory_space<vmem>>
    %dma_start3A_10 = tpu.memref_squeeze %dma_start3A_9 : memref<1x1x256x32xf32, #tpu.memory_space<vmem>> -> memref<256x32xf32, #tpu.memory_space<vmem>>
    %dma_start3A_11 = arith.constant 0 : i32
    %dma_start3A_12 = tpu.memref_slice %arg5[%dma_start3A, %dma_start3A_11] : memref<52x256xi32, #tpu.memory_space<vmem>> -> memref<1x256xi32, #tpu.memory_space<vmem>>
    %dma_start3A_13 = tpu.memref_squeeze %dma_start3A_12 : memref<1x256xi32, #tpu.memory_space<vmem>> -> memref<256xi32, #tpu.memory_space<vmem>>
    %dma_start3A_14 = arith.constant 0 : i32
    %dma_start3A_15 = arith.constant 0 : i32
    %dma_start3A_16 = tpu.memref_slice %arg3[%dma_start3A_14, %dma_start3A_15] : memref<2600000x32xf32, #tpu.memory_space<hbm>> -> memref<2600000x32xf32, #tpu.memory_space<hbm>>
    tpu.enqueue_indirect_dma source(%dma_start3A_16 : memref<2600000x32xf32, #tpu.memory_space<hbm>>) target(%dma_start3A_10 : memref<256x32xf32, #tpu.memory_space<vmem>>) offsets(%dma_start3A_13 : memref<256xi32, #tpu.memory_space<vmem>>) semaphore(%arg7 : memref<!tpu.dma_semaphore, #tpu.memory_space<semaphore_mem>>)
    %dma_start3A_17 = arith.constant 1 : i32
    %dma_start3A_18 = arith.constant 0 : i32
    %dma_start3A_19 = arith.constant 1 : i32
    %dma_start3A_20 = arith.constant 0 : i32
    %dma_start3A_21 = arith.constant 0 : i32
    %dma_start3A_22 = tpu.memref_slice %arg6[%dma_start3A_18, %dma_start3A_19, %dma_start3A_20, %dma_start3A_21] : memref<2x2x256x32xf32, #tpu.memory_space<vmem>> -> memref<1x1x256x32xf32, #tpu.memory_space<vmem>>
    %dma_start3A_23 = tpu.memref_squeeze %dma_start3A_22 : memref<1x1x256x32xf32, #tpu.memory_space<vmem>> -> memref<256x32xf32, #tpu.memory_space<vmem>>
    %dma_start3A_24 = arith.constant 0 : i32
    %dma_start3A_25 = tpu.memref_slice %arg5[%dma_start3A_17, %dma_start3A_24] : memref<52x256xi32, #tpu.memory_space<vmem>> -> memref<1x256xi32, #tpu.memory_space<vmem>>
    %dma_start3A_26 = tpu.memref_squeeze %dma_start3A_25 : memref<1x256xi32, #tpu.memory_space<vmem>> -> memref<256xi32, #tpu.memory_space<vmem>>
    %dma_start3A_27 = arith.constant 0 : i32
    %dma_start3A_28 = arith.constant 0 : i32
    %dma_start3A_29 = tpu.memref_slice %arg3[%dma_start3A_27, %dma_start3A_28] : memref<2600000x32xf32, #tpu.memory_space<hbm>> -> memref<2600000x32xf32, #tpu.memory_space<hbm>>
    tpu.enqueue_indirect_dma source(%dma_start3A_29 : memref<2600000x32xf32, #tpu.memory_space<hbm>>) target(%dma_start3A_23 : memref<256x32xf32, #tpu.memory_space<vmem>>) offsets(%dma_start3A_26 : memref<256xi32, #tpu.memory_space<vmem>>) semaphore(%arg7 : memref<!tpu.dma_semaphore, #tpu.memory_space<semaphore_mem>>)
    %scan3A = arith.constant 0 : i32
    %scan3A_30 = arith.constant 0 : i32
    %scan3A_31 = arith.constant 13 : i32
    %scan3A_32 = arith.addi %scan3A_30, %scan3A_31 : i32
    %scan3A_33 = arith.constant 1 : i32
    scf.for %scan3A_66 = %scan3A_30 to %scan3A_32 step %scan3A_33  : i32 {
      %mul3A_67 = arith.constant 2 : i32
      %mul3A_68 = arith.muli %mul3A_67, %scan3A_66 : i32
      %mul3A_69 = arith.constant 2 : i32
      %mul3A_70 = arith.muli %mul3A_69, %scan3A_66 : i32
      %add3A_71 = arith.constant 1 : i32
      %add3A_72 = arith.addi %mul3A_70, %add3A_71 : i32
      %gt3A = arith.constant 0 : i32
      %gt3A_73 = arith.cmpi sgt, %scan3A_66, %gt3A : i32
      %convert_element_type3A = arith.extui %gt3A_73 : i1 to i32
      %cond3A = arith.constant 0 : i32
      %cond3A_74 = arith.cmpi ne, %convert_element_type3A, %cond3A : i32
      scf.if %cond3A_74 {
        %dma_wait3A_281 = arith.constant 1 : i32
        %dma_wait3A_282 = arith.constant 0 : i32
        %dma_wait3A_283 = arith.constant 0 : i32
        %dma_wait3A_284 = arith.constant 0 : i32
        %dma_wait3A_285 = tpu.memref_slice %arg6[%dma_wait3A_281, %dma_wait3A_282, %dma_wait3A_283, %dma_wait3A_284] : memref<2x2x256x32xf32, #tpu.memory_space<vmem>> -> memref<1x1x256x32xf32, #tpu.memory_space<vmem>>
        %dma_wait3A_286 = tpu.memref_squeeze %dma_wait3A_285 : memref<1x1x256x32xf32, #tpu.memory_space<vmem>> -> memref<256x32xf32, #tpu.memory_space<vmem>>
        %dma_wait3A_287 = arith.constant 0 : i32
        %dma_wait3A_288 = arith.constant 0 : i32
        %dma_wait3A_289 = tpu.memref_slice %arg4[%dma_wait3A_287, %dma_wait3A_288] : memref<425984x32xf32, #tpu.memory_space<hbm>> -> memref<256x32xf32, #tpu.memory_space<hbm>>
        %dma_wait3A_290 = arith.constant 0 : i32
        %dma_wait3A_291 = arith.constant 0 : i32
        %dma_wait3A_292 = tpu.memref_slice %arg4[%dma_wait3A_290, %dma_wait3A_291] : memref<425984x32xf32, #tpu.memory_space<hbm>> -> memref<256x32xf32, #tpu.memory_space<hbm>>
        %dma_wait3A_293 = arith.constant 0 : i32
        %dma_wait3A_294 = arith.constant 0 : i32
        %dma_wait3A_295 = tpu.memref_slice %arg6[%dma_wait3A_281, %dma_wait3A_282, %dma_wait3A_293, %dma_wait3A_294] : memref<2x2x256x32xf32, #tpu.memory_space<vmem>> -> memref<1x1x256x32xf32, #tpu.memory_space<vmem>>
        %dma_wait3A_296 = tpu.memref_squeeze %dma_wait3A_295 : memref<1x1x256x32xf32, #tpu.memory_space<vmem>> -> memref<256x32xf32, #tpu.memory_space<vmem>>
        tpu.wait_dma2 semaphore(%arg10 : memref<!tpu.dma_semaphore, #tpu.memory_space<semaphore_mem>>) src(%dma_wait3A_296 : memref<256x32xf32, #tpu.memory_space<vmem>>) dst(%dma_wait3A_292 : memref<256x32xf32, #tpu.memory_space<hbm>>)
        %dma_wait3A_297 = arith.constant 1 : i32
        %dma_wait3A_298 = arith.constant 1 : i32
        %dma_wait3A_299 = arith.constant 0 : i32
        %dma_wait3A_300 = arith.constant 0 : i32
        %dma_wait3A_301 = tpu.memref_slice %arg6[%dma_wait3A_297, %dma_wait3A_298, %dma_wait3A_299, %dma_wait3A_300] : memref<2x2x256x32xf32, #tpu.memory_space<vmem>> -> memref<1x1x256x32xf32, #tpu.memory_space<vmem>>
        %dma_wait3A_302 = tpu.memref_squeeze %dma_wait3A_301 : memref<1x1x256x32xf32, #tpu.memory_space<vmem>> -> memref<256x32xf32, #tpu.memory_space<vmem>>
        %dma_wait3A_303 = arith.constant 0 : i32
        %dma_wait3A_304 = arith.constant 0 : i32
        %dma_wait3A_305 = tpu.memref_slice %arg4[%dma_wait3A_303, %dma_wait3A_304] : memref<425984x32xf32, #tpu.memory_space<hbm>> -> memref<256x32xf32, #tpu.memory_space<hbm>>
        %dma_wait3A_306 = arith.constant 0 : i32
        %dma_wait3A_307 = arith.constant 0 : i32
        %dma_wait3A_308 = tpu.memref_slice %arg4[%dma_wait3A_306, %dma_wait3A_307] : memref<425984x32xf32, #tpu.memory_space<hbm>> -> memref<256x32xf32, #tpu.memory_space<hbm>>
        %dma_wait3A_309 = arith.constant 0 : i32
        %dma_wait3A_310 = arith.constant 0 : i32
        %dma_wait3A_311 = tpu.memref_slice %arg6[%dma_wait3A_297, %dma_wait3A_298, %dma_wait3A_309, %dma_wait3A_310] : memref<2x2x256x32xf32, #tpu.memory_space<vmem>> -> memref<1x1x256x32xf32, #tpu.memory_space<vmem>>
        %dma_wait3A_312 = tpu.memref_squeeze %dma_wait3A_311 : memref<1x1x256x32xf32, #tpu.memory_space<vmem>> -> memref<256x32xf32, #tpu.memory_space<vmem>>
        tpu.wait_dma2 semaphore(%arg10 : memref<!tpu.dma_semaphore, #tpu.memory_space<semaphore_mem>>) src(%dma_wait3A_312 : memref<256x32xf32, #tpu.memory_space<vmem>>) dst(%dma_wait3A_308 : memref<256x32xf32, #tpu.memory_space<hbm>>)
      } else {
      }
      %mul3A_75 = arith.constant 2 : i32
      %mul3A_76 = arith.muli %add3A_72, %mul3A_75 : i32
      %add3A_77 = arith.constant 0 : i32
      %add3A_78 = arith.addi %mul3A_76, %add3A_77 : i32
      %dma_start3A_79 = arith.constant 1 : i32
      %dma_start3A_80 = arith.constant 0 : i32
      %dma_start3A_81 = arith.constant 0 : i32
      %dma_start3A_82 = arith.constant 0 : i32
      %dma_start3A_83 = tpu.memref_slice %arg6[%dma_start3A_79, %dma_start3A_80, %dma_start3A_81, %dma_start3A_82] : memref<2x2x256x32xf32, #tpu.memory_space<vmem>> -> memref<1x1x256x32xf32, #tpu.memory_space<vmem>>
      %dma_start3A_84 = tpu.memref_squeeze %dma_start3A_83 : memref<1x1x256x32xf32, #tpu.memory_space<vmem>> -> memref<256x32xf32, #tpu.memory_space<vmem>>
      %dma_start3A_85 = arith.constant 0 : i32
      %dma_start3A_86 = tpu.memref_slice %arg5[%add3A_78, %dma_start3A_85] : memref<52x256xi32, #tpu.memory_space<vmem>> -> memref<1x256xi32, #tpu.memory_space<vmem>>
      %dma_start3A_87 = tpu.memref_squeeze %dma_start3A_86 : memref<1x256xi32, #tpu.memory_space<vmem>> -> memref<256xi32, #tpu.memory_space<vmem>>
      %dma_start3A_88 = arith.constant 0 : i32
      %dma_start3A_89 = arith.constant 0 : i32
      %dma_start3A_90 = tpu.memref_slice %arg3[%dma_start3A_88, %dma_start3A_89] : memref<2600000x32xf32, #tpu.memory_space<hbm>> -> memref<2600000x32xf32, #tpu.memory_space<hbm>>
      tpu.enqueue_indirect_dma source(%dma_start3A_90 : memref<2600000x32xf32, #tpu.memory_space<hbm>>) target(%dma_start3A_84 : memref<256x32xf32, #tpu.memory_space<vmem>>) offsets(%dma_start3A_87 : memref<256xi32, #tpu.memory_space<vmem>>) semaphore(%arg8 : memref<!tpu.dma_semaphore, #tpu.memory_space<semaphore_mem>>)
      %mul3A_91 = arith.constant 2 : i32
      %mul3A_92 = arith.muli %add3A_72, %mul3A_91 : i32
      %add3A_93 = arith.constant 1 : i32
      %add3A_94 = arith.addi %mul3A_92, %add3A_93 : i32
      %dma_start3A_95 = arith.constant 1 : i32
      %dma_start3A_96 = arith.constant 1 : i32
      %dma_start3A_97 = arith.constant 0 : i32
      %dma_start3A_98 = arith.constant 0 : i32
      %dma_start3A_99 = tpu.memref_slice %arg6[%dma_start3A_95, %dma_start3A_96, %dma_start3A_97, %dma_start3A_98] : memref<2x2x256x32xf32, #tpu.memory_space<vmem>> -> memref<1x1x256x32xf32, #tpu.memory_space<vmem>>
      %dma_start3A_100 = tpu.memref_squeeze %dma_start3A_99 : memref<1x1x256x32xf32, #tpu.memory_space<vmem>> -> memref<256x32xf32, #tpu.memory_space<vmem>>
      %dma_start3A_101 = arith.constant 0 : i32
      %dma_start3A_102 = tpu.memref_slice %arg5[%add3A_94, %dma_start3A_101] : memref<52x256xi32, #tpu.memory_space<vmem>> -> memref<1x256xi32, #tpu.memory_space<vmem>>
      %dma_start3A_103 = tpu.memref_squeeze %dma_start3A_102 : memref<1x256xi32, #tpu.memory_space<vmem>> -> memref<256xi32, #tpu.memory_space<vmem>>
      %dma_start3A_104 = arith.constant 0 : i32
      %dma_start3A_105 = arith.constant 0 : i32
      %dma_start3A_106 = tpu.memref_slice %arg3[%dma_start3A_104, %dma_start3A_105] : memref<2600000x32xf32, #tpu.memory_space<hbm>> -> memref<2600000x32xf32, #tpu.memory_space<hbm>>
      tpu.enqueue_indirect_dma source(%dma_start3A_106 : memref<2600000x32xf32, #tpu.memory_space<hbm>>) target(%dma_start3A_100 : memref<256x32xf32, #tpu.memory_space<vmem>>) offsets(%dma_start3A_103 : memref<256xi32, #tpu.memory_space<vmem>>) semaphore(%arg8 : memref<!tpu.dma_semaphore, #tpu.memory_space<semaphore_mem>>)
      %dma_wait3A_107 = arith.constant 0 : i32
      %dma_wait3A_108 = arith.constant 0 : i32
      %dma_wait3A_109 = arith.constant 0 : i32
      %dma_wait3A_110 = arith.constant 0 : i32
      %dma_wait3A_111 = arith.constant 0 : i32
      %dma_wait3A_112 = tpu.memref_slice %arg6[%dma_wait3A_108, %dma_wait3A_109, %dma_wait3A_110, %dma_wait3A_111] : memref<2x2x256x32xf32, #tpu.memory_space<vmem>> -> memref<1x1x256x32xf32, #tpu.memory_space<vmem>>
      %dma_wait3A_113 = tpu.memref_squeeze %dma_wait3A_112 : memref<1x1x256x32xf32, #tpu.memory_space<vmem>> -> memref<256x32xf32, #tpu.memory_space<vmem>>
      %dma_wait3A_114 = arith.constant 0 : i32
      %dma_wait3A_115 = tpu.memref_slice %arg5[%dma_wait3A_107, %dma_wait3A_114] : memref<52x256xi32, #tpu.memory_space<vmem>> -> memref<1x256xi32, #tpu.memory_space<vmem>>
      %dma_wait3A_116 = tpu.memref_squeeze %dma_wait3A_115 : memref<1x256xi32, #tpu.memory_space<vmem>> -> memref<256xi32, #tpu.memory_space<vmem>>
      %dma_wait3A_117 = arith.constant 0 : i32
      %dma_wait3A_118 = arith.constant 0 : i32
      %dma_wait3A_119 = tpu.memref_slice %arg3[%dma_wait3A_117, %dma_wait3A_118] : memref<2600000x32xf32, #tpu.memory_space<hbm>> -> memref<2600000x32xf32, #tpu.memory_space<hbm>>
      tpu.wait_indirect_dma semaphore(%arg7 : memref<!tpu.dma_semaphore, #tpu.memory_space<semaphore_mem>>) src(%dma_wait3A_119 : memref<2600000x32xf32, #tpu.memory_space<hbm>>) dst(%dma_wait3A_113 : memref<256x32xf32, #tpu.memory_space<vmem>>)
      %dma_wait3A_120 = arith.constant 0 : i32
      %dma_wait3A_121 = arith.constant 0 : i32
      %dma_wait3A_122 = arith.constant 1 : i32
      %dma_wait3A_123 = arith.constant 0 : i32
      %dma_wait3A_124 = arith.constant 0 : i32
      %dma_wait3A_125 = tpu.memref_slice %arg6[%dma_wait3A_121, %dma_wait3A_122, %dma_wait3A_123, %dma_wait3A_124] : memref<2x2x256x32xf32, #tpu.memory_space<vmem>> -> memref<1x1x256x32xf32, #tpu.memory_space<vmem>>
      %dma_wait3A_126 = tpu.memref_squeeze %dma_wait3A_125 : memref<1x1x256x32xf32, #tpu.memory_space<vmem>> -> memref<256x32xf32, #tpu.memory_space<vmem>>
      %dma_wait3A_127 = arith.constant 0 : i32
      %dma_wait3A_128 = tpu.memref_slice %arg5[%dma_wait3A_120, %dma_wait3A_127] : memref<52x256xi32, #tpu.memory_space<vmem>> -> memref<1x256xi32, #tpu.memory_space<vmem>>
      %dma_wait3A_129 = tpu.memref_squeeze %dma_wait3A_128 : memref<1x256xi32, #tpu.memory_space<vmem>> -> memref<256xi32, #tpu.memory_space<vmem>>
      %dma_wait3A_130 = arith.constant 0 : i32
      %dma_wait3A_131 = arith.constant 0 : i32
      %dma_wait3A_132 = tpu.memref_slice %arg3[%dma_wait3A_130, %dma_wait3A_131] : memref<2600000x32xf32, #tpu.memory_space<hbm>> -> memref<2600000x32xf32, #tpu.memory_space<hbm>>
      tpu.wait_indirect_dma semaphore(%arg7 : memref<!tpu.dma_semaphore, #tpu.memory_space<semaphore_mem>>) src(%dma_wait3A_132 : memref<2600000x32xf32, #tpu.memory_space<hbm>>) dst(%dma_wait3A_126 : memref<256x32xf32, #tpu.memory_space<vmem>>)
      %mul3A_133 = arith.constant 2 : i32
      %mul3A_134 = arith.muli %mul3A_68, %mul3A_133 : i32
      %add3A_135 = arith.addi %mul3A_2, %mul3A_134 : i32
      %add3A_136 = arith.constant 0 : i32
      %add3A_137 = arith.addi %add3A_135, %add3A_136 : i32
      %mul3A_138 = arith.constant 256 : i32
      %mul3A_139 = arith.muli %add3A_137, %mul3A_138 : i32
      %dma_start3A_140 = arith.constant 0 : i32
      %dma_start3A_141 = arith.constant 0 : i32
      %dma_start3A_142 = arith.constant 0 : i32
      %dma_start3A_143 = arith.constant 0 : i32
      %dma_start3A_144 = tpu.memref_slice %arg6[%dma_start3A_140, %dma_start3A_141, %dma_start3A_142, %dma_start3A_143] : memref<2x2x256x32xf32, #tpu.memory_space<vmem>> -> memref<1x1x256x32xf32, #tpu.memory_space<vmem>>
      %dma_start3A_145 = tpu.memref_squeeze %dma_start3A_144 : memref<1x1x256x32xf32, #tpu.memory_space<vmem>> -> memref<256x32xf32, #tpu.memory_space<vmem>>
      %dma_start3A_146 = arith.constant 0 : i32
      %dma_start3A_147 = tpu.memref_slice %arg4[%mul3A_139, %dma_start3A_146] : memref<425984x32xf32, #tpu.memory_space<hbm>> -> memref<256x32xf32, #tpu.memory_space<hbm>>
      %dma_start3A_148 = arith.constant 0 : i32
      %dma_start3A_149 = tpu.memref_slice %arg4[%mul3A_139, %dma_start3A_148] : memref<425984x32xf32, #tpu.memory_space<hbm>> -> memref<256x32xf32, #tpu.memory_space<hbm>>
      %dma_start3A_150 = arith.constant 0 : i32
      %dma_start3A_151 = arith.constant 0 : i32
      %dma_start3A_152 = tpu.memref_slice %arg6[%dma_start3A_140, %dma_start3A_141, %dma_start3A_150, %dma_start3A_151] : memref<2x2x256x32xf32, #tpu.memory_space<vmem>> -> memref<1x1x256x32xf32, #tpu.memory_space<vmem>>
      %dma_start3A_153 = tpu.memref_squeeze %dma_start3A_152 : memref<1x1x256x32xf32, #tpu.memory_space<vmem>> -> memref<256x32xf32, #tpu.memory_space<vmem>>
      tpu.enqueue_dma source(%dma_start3A_153 : memref<256x32xf32, #tpu.memory_space<vmem>>) target(%dma_start3A_149 : memref<256x32xf32, #tpu.memory_space<hbm>>) target_semaphore(%arg9 : memref<!tpu.dma_semaphore, #tpu.memory_space<semaphore_mem>>)
      %mul3A_154 = arith.constant 2 : i32
      %mul3A_155 = arith.muli %mul3A_68, %mul3A_154 : i32
      %add3A_156 = arith.addi %mul3A_2, %mul3A_155 : i32
      %add3A_157 = arith.constant 1 : i32
      %add3A_158 = arith.addi %add3A_156, %add3A_157 : i32
      %mul3A_159 = arith.constant 256 : i32
      %mul3A_160 = arith.muli %add3A_158, %mul3A_159 : i32
      %dma_start3A_161 = arith.constant 0 : i32
      %dma_start3A_162 = arith.constant 1 : i32
      %dma_start3A_163 = arith.constant 0 : i32
      %dma_start3A_164 = arith.constant 0 : i32
      %dma_start3A_165 = tpu.memref_slice %arg6[%dma_start3A_161, %dma_start3A_162, %dma_start3A_163, %dma_start3A_164] : memref<2x2x256x32xf32, #tpu.memory_space<vmem>> -> memref<1x1x256x32xf32, #tpu.memory_space<vmem>>
      %dma_start3A_166 = tpu.memref_squeeze %dma_start3A_165 : memref<1x1x256x32xf32, #tpu.memory_space<vmem>> -> memref<256x32xf32, #tpu.memory_space<vmem>>
      %dma_start3A_167 = arith.constant 0 : i32
      %dma_start3A_168 = tpu.memref_slice %arg4[%mul3A_160, %dma_start3A_167] : memref<425984x32xf32, #tpu.memory_space<hbm>> -> memref<256x32xf32, #tpu.memory_space<hbm>>
      %dma_start3A_169 = arith.constant 0 : i32
      %dma_start3A_170 = tpu.memref_slice %arg4[%mul3A_160, %dma_start3A_169] : memref<425984x32xf32, #tpu.memory_space<hbm>> -> memref<256x32xf32, #tpu.memory_space<hbm>>
      %dma_start3A_171 = arith.constant 0 : i32
      %dma_start3A_172 = arith.constant 0 : i32
      %dma_start3A_173 = tpu.memref_slice %arg6[%dma_start3A_161, %dma_start3A_162, %dma_start3A_171, %dma_start3A_172] : memref<2x2x256x32xf32, #tpu.memory_space<vmem>> -> memref<1x1x256x32xf32, #tpu.memory_space<vmem>>
      %dma_start3A_174 = tpu.memref_squeeze %dma_start3A_173 : memref<1x1x256x32xf32, #tpu.memory_space<vmem>> -> memref<256x32xf32, #tpu.memory_space<vmem>>
      tpu.enqueue_dma source(%dma_start3A_174 : memref<256x32xf32, #tpu.memory_space<vmem>>) target(%dma_start3A_170 : memref<256x32xf32, #tpu.memory_space<hbm>>) target_semaphore(%arg9 : memref<!tpu.dma_semaphore, #tpu.memory_space<semaphore_mem>>)
      %dma_wait3A_175 = arith.constant 0 : i32
      %dma_wait3A_176 = arith.constant 0 : i32
      %dma_wait3A_177 = arith.constant 0 : i32
      %dma_wait3A_178 = arith.constant 0 : i32
      %dma_wait3A_179 = tpu.memref_slice %arg6[%dma_wait3A_175, %dma_wait3A_176, %dma_wait3A_177, %dma_wait3A_178] : memref<2x2x256x32xf32, #tpu.memory_space<vmem>> -> memref<1x1x256x32xf32, #tpu.memory_space<vmem>>
      %dma_wait3A_180 = tpu.memref_squeeze %dma_wait3A_179 : memref<1x1x256x32xf32, #tpu.memory_space<vmem>> -> memref<256x32xf32, #tpu.memory_space<vmem>>
      %dma_wait3A_181 = arith.constant 0 : i32
      %dma_wait3A_182 = arith.constant 0 : i32
      %dma_wait3A_183 = tpu.memref_slice %arg4[%dma_wait3A_181, %dma_wait3A_182] : memref<425984x32xf32, #tpu.memory_space<hbm>> -> memref<256x32xf32, #tpu.memory_space<hbm>>
      %dma_wait3A_184 = arith.constant 0 : i32
      %dma_wait3A_185 = arith.constant 0 : i32
      %dma_wait3A_186 = tpu.memref_slice %arg4[%dma_wait3A_184, %dma_wait3A_185] : memref<425984x32xf32, #tpu.memory_space<hbm>> -> memref<256x32xf32, #tpu.memory_space<hbm>>
      %dma_wait3A_187 = arith.constant 0 : i32
      %dma_wait3A_188 = arith.constant 0 : i32
      %dma_wait3A_189 = tpu.memref_slice %arg6[%dma_wait3A_175, %dma_wait3A_176, %dma_wait3A_187, %dma_wait3A_188] : memref<2x2x256x32xf32, #tpu.memory_space<vmem>> -> memref<1x1x256x32xf32, #tpu.memory_space<vmem>>
      %dma_wait3A_190 = tpu.memref_squeeze %dma_wait3A_189 : memref<1x1x256x32xf32, #tpu.memory_space<vmem>> -> memref<256x32xf32, #tpu.memory_space<vmem>>
      tpu.wait_dma2 semaphore(%arg9 : memref<!tpu.dma_semaphore, #tpu.memory_space<semaphore_mem>>) src(%dma_wait3A_190 : memref<256x32xf32, #tpu.memory_space<vmem>>) dst(%dma_wait3A_186 : memref<256x32xf32, #tpu.memory_space<hbm>>)
      %dma_wait3A_191 = arith.constant 0 : i32
      %dma_wait3A_192 = arith.constant 1 : i32
      %dma_wait3A_193 = arith.constant 0 : i32
      %dma_wait3A_194 = arith.constant 0 : i32
      %dma_wait3A_195 = tpu.memref_slice %arg6[%dma_wait3A_191, %dma_wait3A_192, %dma_wait3A_193, %dma_wait3A_194] : memref<2x2x256x32xf32, #tpu.memory_space<vmem>> -> memref<1x1x256x32xf32, #tpu.memory_space<vmem>>
      %dma_wait3A_196 = tpu.memref_squeeze %dma_wait3A_195 : memref<1x1x256x32xf32, #tpu.memory_space<vmem>> -> memref<256x32xf32, #tpu.memory_space<vmem>>
      %dma_wait3A_197 = arith.constant 0 : i32
      %dma_wait3A_198 = arith.constant 0 : i32
      %dma_wait3A_199 = tpu.memref_slice %arg4[%dma_wait3A_197, %dma_wait3A_198] : memref<425984x32xf32, #tpu.memory_space<hbm>> -> memref<256x32xf32, #tpu.memory_space<hbm>>
      %dma_wait3A_200 = arith.constant 0 : i32
      %dma_wait3A_201 = arith.constant 0 : i32
      %dma_wait3A_202 = tpu.memref_slice %arg4[%dma_wait3A_200, %dma_wait3A_201] : memref<425984x32xf32, #tpu.memory_space<hbm>> -> memref<256x32xf32, #tpu.memory_space<hbm>>
      %dma_wait3A_203 = arith.constant 0 : i32
      %dma_wait3A_204 = arith.constant 0 : i32
      %dma_wait3A_205 = tpu.memref_slice %arg6[%dma_wait3A_191, %dma_wait3A_192, %dma_wait3A_203, %dma_wait3A_204] : memref<2x2x256x32xf32, #tpu.memory_space<vmem>> -> memref<1x1x256x32xf32, #tpu.memory_space<vmem>>
      %dma_wait3A_206 = tpu.memref_squeeze %dma_wait3A_205 : memref<1x1x256x32xf32, #tpu.memory_space<vmem>> -> memref<256x32xf32, #tpu.memory_space<vmem>>
      tpu.wait_dma2 semaphore(%arg9 : memref<!tpu.dma_semaphore, #tpu.memory_space<semaphore_mem>>) src(%dma_wait3A_206 : memref<256x32xf32, #tpu.memory_space<vmem>>) dst(%dma_wait3A_202 : memref<256x32xf32, #tpu.memory_space<hbm>>)
      %add3A_207 = arith.constant 2 : i32
      %add3A_208 = arith.addi %mul3A_68, %add3A_207 : i32
      %lt3A = arith.constant 26 : i32
      %lt3A_209 = arith.cmpi slt, %add3A_208, %lt3A : i32
      %convert_element_type3A_210 = arith.extui %lt3A_209 : i1 to i32
      %cond3A_211 = arith.constant 0 : i32
      %cond3A_212 = arith.cmpi ne, %convert_element_type3A_210, %cond3A_211 : i32
      scf.if %cond3A_212 {
        %add3A_281 = arith.constant 2 : i32
        %add3A_282 = arith.addi %mul3A_68, %add3A_281 : i32
        %mul3A_283 = arith.constant 2 : i32
        %mul3A_284 = arith.muli %add3A_282, %mul3A_283 : i32
        %add3A_285 = arith.constant 0 : i32
        %add3A_286 = arith.addi %mul3A_284, %add3A_285 : i32
        %dma_start3A_287 = arith.constant 0 : i32
        %dma_start3A_288 = arith.constant 0 : i32
        %dma_start3A_289 = arith.constant 0 : i32
        %dma_start3A_290 = arith.constant 0 : i32
        %dma_start3A_291 = tpu.memref_slice %arg6[%dma_start3A_287, %dma_start3A_288, %dma_start3A_289, %dma_start3A_290] : memref<2x2x256x32xf32, #tpu.memory_space<vmem>> -> memref<1x1x256x32xf32, #tpu.memory_space<vmem>>
        %dma_start3A_292 = tpu.memref_squeeze %dma_start3A_291 : memref<1x1x256x32xf32, #tpu.memory_space<vmem>> -> memref<256x32xf32, #tpu.memory_space<vmem>>
        %dma_start3A_293 = arith.constant 0 : i32
        %dma_start3A_294 = tpu.memref_slice %arg5[%add3A_286, %dma_start3A_293] : memref<52x256xi32, #tpu.memory_space<vmem>> -> memref<1x256xi32, #tpu.memory_space<vmem>>
        %dma_start3A_295 = tpu.memref_squeeze %dma_start3A_294 : memref<1x256xi32, #tpu.memory_space<vmem>> -> memref<256xi32, #tpu.memory_space<vmem>>
        %dma_start3A_296 = arith.constant 0 : i32
        %dma_start3A_297 = arith.constant 0 : i32
        %dma_start3A_298 = tpu.memref_slice %arg3[%dma_start3A_296, %dma_start3A_297] : memref<2600000x32xf32, #tpu.memory_space<hbm>> -> memref<2600000x32xf32, #tpu.memory_space<hbm>>
        tpu.enqueue_indirect_dma source(%dma_start3A_298 : memref<2600000x32xf32, #tpu.memory_space<hbm>>) target(%dma_start3A_292 : memref<256x32xf32, #tpu.memory_space<vmem>>) offsets(%dma_start3A_295 : memref<256xi32, #tpu.memory_space<vmem>>) semaphore(%arg7 : memref<!tpu.dma_semaphore, #tpu.memory_space<semaphore_mem>>)
        %mul3A_299 = arith.constant 2 : i32
        %mul3A_300 = arith.muli %add3A_282, %mul3A_299 : i32
        %add3A_301 = arith.constant 1 : i32
        %add3A_302 = arith.addi %mul3A_300, %add3A_301 : i32
        %dma_start3A_303 = arith.constant 0 : i32
        %dma_start3A_304 = arith.constant 1 : i32
        %dma_start3A_305 = arith.constant 0 : i32
        %dma_start3A_306 = arith.constant 0 : i32
        %dma_start3A_307 = tpu.memref_slice %arg6[%dma_start3A_303, %dma_start3A_304, %dma_start3A_305, %dma_start3A_306] : memref<2x2x256x32xf32, #tpu.memory_space<vmem>> -> memref<1x1x256x32xf32, #tpu.memory_space<vmem>>
        %dma_start3A_308 = tpu.memref_squeeze %dma_start3A_307 : memref<1x1x256x32xf32, #tpu.memory_space<vmem>> -> memref<256x32xf32, #tpu.memory_space<vmem>>
        %dma_start3A_309 = arith.constant 0 : i32
        %dma_start3A_310 = tpu.memref_slice %arg5[%add3A_302, %dma_start3A_309] : memref<52x256xi32, #tpu.memory_space<vmem>> -> memref<1x256xi32, #tpu.memory_space<vmem>>
        %dma_start3A_311 = tpu.memref_squeeze %dma_start3A_310 : memref<1x256xi32, #tpu.memory_space<vmem>> -> memref<256xi32, #tpu.memory_space<vmem>>
        %dma_start3A_312 = arith.constant 0 : i32
        %dma_start3A_313 = arith.constant 0 : i32
        %dma_start3A_314 = tpu.memref_slice %arg3[%dma_start3A_312, %dma_start3A_313] : memref<2600000x32xf32, #tpu.memory_space<hbm>> -> memref<2600000x32xf32, #tpu.memory_space<hbm>>
        tpu.enqueue_indirect_dma source(%dma_start3A_314 : memref<2600000x32xf32, #tpu.memory_space<hbm>>) target(%dma_start3A_308 : memref<256x32xf32, #tpu.memory_space<vmem>>) offsets(%dma_start3A_311 : memref<256xi32, #tpu.memory_space<vmem>>) semaphore(%arg7 : memref<!tpu.dma_semaphore, #tpu.memory_space<semaphore_mem>>)
      } else {
      }
      %dma_wait3A_213 = arith.constant 0 : i32
      %dma_wait3A_214 = arith.constant 1 : i32
      %dma_wait3A_215 = arith.constant 0 : i32
      %dma_wait3A_216 = arith.constant 0 : i32
      %dma_wait3A_217 = arith.constant 0 : i32
      %dma_wait3A_218 = tpu.memref_slice %arg6[%dma_wait3A_214, %dma_wait3A_215, %dma_wait3A_216, %dma_wait3A_217] : memref<2x2x256x32xf32, #tpu.memory_space<vmem>> -> memref<1x1x256x32xf32, #tpu.memory_space<vmem>>
      %dma_wait3A_219 = tpu.memref_squeeze %dma_wait3A_218 : memref<1x1x256x32xf32, #tpu.memory_space<vmem>> -> memref<256x32xf32, #tpu.memory_space<vmem>>
      %dma_wait3A_220 = arith.constant 0 : i32
      %dma_wait3A_221 = tpu.memref_slice %arg5[%dma_wait3A_213, %dma_wait3A_220] : memref<52x256xi32, #tpu.memory_space<vmem>> -> memref<1x256xi32, #tpu.memory_space<vmem>>
      %dma_wait3A_222 = tpu.memref_squeeze %dma_wait3A_221 : memref<1x256xi32, #tpu.memory_space<vmem>> -> memref<256xi32, #tpu.memory_space<vmem>>
      %dma_wait3A_223 = arith.constant 0 : i32
      %dma_wait3A_224 = arith.constant 0 : i32
      %dma_wait3A_225 = tpu.memref_slice %arg3[%dma_wait3A_223, %dma_wait3A_224] : memref<2600000x32xf32, #tpu.memory_space<hbm>> -> memref<2600000x32xf32, #tpu.memory_space<hbm>>
      tpu.wait_indirect_dma semaphore(%arg8 : memref<!tpu.dma_semaphore, #tpu.memory_space<semaphore_mem>>) src(%dma_wait3A_225 : memref<2600000x32xf32, #tpu.memory_space<hbm>>) dst(%dma_wait3A_219 : memref<256x32xf32, #tpu.memory_space<vmem>>)
      %dma_wait3A_226 = arith.constant 0 : i32
      %dma_wait3A_227 = arith.constant 1 : i32
      %dma_wait3A_228 = arith.constant 1 : i32
      %dma_wait3A_229 = arith.constant 0 : i32
      %dma_wait3A_230 = arith.constant 0 : i32
      %dma_wait3A_231 = tpu.memref_slice %arg6[%dma_wait3A_227, %dma_wait3A_228, %dma_wait3A_229, %dma_wait3A_230] : memref<2x2x256x32xf32, #tpu.memory_space<vmem>> -> memref<1x1x256x32xf32, #tpu.memory_space<vmem>>
      %dma_wait3A_232 = tpu.memref_squeeze %dma_wait3A_231 : memref<1x1x256x32xf32, #tpu.memory_space<vmem>> -> memref<256x32xf32, #tpu.memory_space<vmem>>
      %dma_wait3A_233 = arith.constant 0 : i32
      %dma_wait3A_234 = tpu.memref_slice %arg5[%dma_wait3A_226, %dma_wait3A_233] : memref<52x256xi32, #tpu.memory_space<vmem>> -> memref<1x256xi32, #tpu.memory_space<vmem>>
      %dma_wait3A_235 = tpu.memref_squeeze %dma_wait3A_234 : memref<1x256xi32, #tpu.memory_space<vmem>> -> memref<256xi32, #tpu.memory_space<vmem>>
      %dma_wait3A_236 = arith.constant 0 : i32
      %dma_wait3A_237 = arith.constant 0 : i32
      %dma_wait3A_238 = tpu.memref_slice %arg3[%dma_wait3A_236, %dma_wait3A_237] : memref<2600000x32xf32, #tpu.memory_space<hbm>> -> memref<2600000x32xf32, #tpu.memory_space<hbm>>
      tpu.wait_indirect_dma semaphore(%arg8 : memref<!tpu.dma_semaphore, #tpu.memory_space<semaphore_mem>>) src(%dma_wait3A_238 : memref<2600000x32xf32, #tpu.memory_space<hbm>>) dst(%dma_wait3A_232 : memref<256x32xf32, #tpu.memory_space<vmem>>)
      %mul3A_239 = arith.constant 2 : i32
      %mul3A_240 = arith.muli %add3A_72, %mul3A_239 : i32
      %add3A_241 = arith.addi %mul3A_2, %mul3A_240 : i32
      %add3A_242 = arith.constant 0 : i32
      %add3A_243 = arith.addi %add3A_241, %add3A_242 : i32
      %mul3A_244 = arith.constant 256 : i32
      %mul3A_245 = arith.muli %add3A_243, %mul3A_244 : i32
      %dma_start3A_246 = arith.constant 1 : i32
      %dma_start3A_247 = arith.constant 0 : i32
      %dma_start3A_248 = arith.constant 0 : i32
      %dma_start3A_249 = arith.constant 0 : i32
      %dma_start3A_250 = tpu.memref_slice %arg6[%dma_start3A_246, %dma_start3A_247, %dma_start3A_248, %dma_start3A_249] : memref<2x2x256x32xf32, #tpu.memory_space<vmem>> -> memref<1x1x256x32xf32, #tpu.memory_space<vmem>>
      %dma_start3A_251 = tpu.memref_squeeze %dma_start3A_250 : memref<1x1x256x32xf32, #tpu.memory_space<vmem>> -> memref<256x32xf32, #tpu.memory_space<vmem>>
      %dma_start3A_252 = arith.constant 0 : i32
      %dma_start3A_253 = tpu.memref_slice %arg4[%mul3A_245, %dma_start3A_252] : memref<425984x32xf32, #tpu.memory_space<hbm>> -> memref<256x32xf32, #tpu.memory_space<hbm>>
      %dma_start3A_254 = arith.constant 0 : i32
      %dma_start3A_255 = tpu.memref_slice %arg4[%mul3A_245, %dma_start3A_254] : memref<425984x32xf32, #tpu.memory_space<hbm>> -> memref<256x32xf32, #tpu.memory_space<hbm>>
      %dma_start3A_256 = arith.constant 0 : i32
      %dma_start3A_257 = arith.constant 0 : i32
      %dma_start3A_258 = tpu.memref_slice %arg6[%dma_start3A_246, %dma_start3A_247, %dma_start3A_256, %dma_start3A_257] : memref<2x2x256x32xf32, #tpu.memory_space<vmem>> -> memref<1x1x256x32xf32, #tpu.memory_space<vmem>>
      %dma_start3A_259 = tpu.memref_squeeze %dma_start3A_258 : memref<1x1x256x32xf32, #tpu.memory_space<vmem>> -> memref<256x32xf32, #tpu.memory_space<vmem>>
      tpu.enqueue_dma source(%dma_start3A_259 : memref<256x32xf32, #tpu.memory_space<vmem>>) target(%dma_start3A_255 : memref<256x32xf32, #tpu.memory_space<hbm>>) target_semaphore(%arg10 : memref<!tpu.dma_semaphore, #tpu.memory_space<semaphore_mem>>)
      %mul3A_260 = arith.constant 2 : i32
      %mul3A_261 = arith.muli %add3A_72, %mul3A_260 : i32
      %add3A_262 = arith.addi %mul3A_2, %mul3A_261 : i32
      %add3A_263 = arith.constant 1 : i32
      %add3A_264 = arith.addi %add3A_262, %add3A_263 : i32
      %mul3A_265 = arith.constant 256 : i32
      %mul3A_266 = arith.muli %add3A_264, %mul3A_265 : i32
      %dma_start3A_267 = arith.constant 1 : i32
      %dma_start3A_268 = arith.constant 1 : i32
      %dma_start3A_269 = arith.constant 0 : i32
      %dma_start3A_270 = arith.constant 0 : i32
      %dma_start3A_271 = tpu.memref_slice %arg6[%dma_start3A_267, %dma_start3A_268, %dma_start3A_269, %dma_start3A_270] : memref<2x2x256x32xf32, #tpu.memory_space<vmem>> -> memref<1x1x256x32xf32, #tpu.memory_space<vmem>>
      %dma_start3A_272 = tpu.memref_squeeze %dma_start3A_271 : memref<1x1x256x32xf32, #tpu.memory_space<vmem>> -> memref<256x32xf32, #tpu.memory_space<vmem>>
      %dma_start3A_273 = arith.constant 0 : i32
      %dma_start3A_274 = tpu.memref_slice %arg4[%mul3A_266, %dma_start3A_273] : memref<425984x32xf32, #tpu.memory_space<hbm>> -> memref<256x32xf32, #tpu.memory_space<hbm>>
      %dma_start3A_275 = arith.constant 0 : i32
      %dma_start3A_276 = tpu.memref_slice %arg4[%mul3A_266, %dma_start3A_275] : memref<425984x32xf32, #tpu.memory_space<hbm>> -> memref<256x32xf32, #tpu.memory_space<hbm>>
      %dma_start3A_277 = arith.constant 0 : i32
      %dma_start3A_278 = arith.constant 0 : i32
      %dma_start3A_279 = tpu.memref_slice %arg6[%dma_start3A_267, %dma_start3A_268, %dma_start3A_277, %dma_start3A_278] : memref<2x2x256x32xf32, #tpu.memory_space<vmem>> -> memref<1x1x256x32xf32, #tpu.memory_space<vmem>>
      %dma_start3A_280 = tpu.memref_squeeze %dma_start3A_279 : memref<1x1x256x32xf32, #tpu.memory_space<vmem>> -> memref<256x32xf32, #tpu.memory_space<vmem>>
      tpu.enqueue_dma source(%dma_start3A_280 : memref<256x32xf32, #tpu.memory_space<vmem>>) target(%dma_start3A_276 : memref<256x32xf32, #tpu.memory_space<hbm>>) target_semaphore(%arg10 : memref<!tpu.dma_semaphore, #tpu.memory_space<semaphore_mem>>)
    }
    %scan3A_34 = arith.constant 13 : i32
    %dma_wait3A = arith.constant 1 : i32
    %dma_wait3A_35 = arith.constant 0 : i32
    %dma_wait3A_36 = arith.constant 0 : i32
    %dma_wait3A_37 = arith.constant 0 : i32
    %dma_wait3A_38 = tpu.memref_slice %arg6[%dma_wait3A, %dma_wait3A_35, %dma_wait3A_36, %dma_wait3A_37] : memref<2x2x256x32xf32, #tpu.memory_space<vmem>> -> memref<1x1x256x32xf32, #tpu.memory_space<vmem>>
    %dma_wait3A_39 = tpu.memref_squeeze %dma_wait3A_38 : memref<1x1x256x32xf32, #tpu.memory_space<vmem>> -> memref<256x32xf32, #tpu.memory_space<vmem>>
    %dma_wait3A_40 = arith.constant 0 : i32
    %dma_wait3A_41 = arith.constant 0 : i32
    %dma_wait3A_42 = tpu.memref_slice %arg4[%dma_wait3A_40, %dma_wait3A_41] : memref<425984x32xf32, #tpu.memory_space<hbm>> -> memref<256x32xf32, #tpu.memory_space<hbm>>
    %dma_wait3A_43 = arith.constant 0 : i32
    %dma_wait3A_44 = arith.constant 0 : i32
    %dma_wait3A_45 = tpu.memref_slice %arg4[%dma_wait3A_43, %dma_wait3A_44] : memref<425984x32xf32, #tpu.memory_space<hbm>> -> memref<256x32xf32, #tpu.memory_space<hbm>>
    %dma_wait3A_46 = arith.constant 0 : i32
    %dma_wait3A_47 = arith.constant 0 : i32
    %dma_wait3A_48 = tpu.memref_slice %arg6[%dma_wait3A, %dma_wait3A_35, %dma_wait3A_46, %dma_wait3A_47] : memref<2x2x256x32xf32, #tpu.memory_space<vmem>> -> memref<1x1x256x32xf32, #tpu.memory_space<vmem>>
    %dma_wait3A_49 = tpu.memref_squeeze %dma_wait3A_48 : memref<1x1x256x32xf32, #tpu.memory_space<vmem>> -> memref<256x32xf32, #tpu.memory_space<vmem>>
    tpu.wait_dma2 semaphore(%arg10 : memref<!tpu.dma_semaphore, #tpu.memory_space<semaphore_mem>>) src(%dma_wait3A_49 : memref<256x32xf32, #tpu.memory_space<vmem>>) dst(%dma_wait3A_45 : memref<256x32xf32, #tpu.memory_space<hbm>>)
    %dma_wait3A_50 = arith.constant 1 : i32
    %dma_wait3A_51 = arith.constant 1 : i32
    %dma_wait3A_52 = arith.constant 0 : i32
    %dma_wait3A_53 = arith.constant 0 : i32
    %dma_wait3A_54 = tpu.memref_slice %arg6[%dma_wait3A_50, %dma_wait3A_51, %dma_wait3A_52, %dma_wait3A_53] : memref<2x2x256x32xf32, #tpu.memory_space<vmem>> -> memref<1x1x256x32xf32, #tpu.memory_space<vmem>>
    %dma_wait3A_55 = tpu.memref_squeeze %dma_wait3A_54 : memref<1x1x256x32xf32, #tpu.memory_space<vmem>> -> memref<256x32xf32, #tpu.memory_space<vmem>>
    %dma_wait3A_56 = arith.constant 0 : i32
    %dma_wait3A_57 = arith.constant 0 : i32
    %dma_wait3A_58 = tpu.memref_slice %arg4[%dma_wait3A_56, %dma_wait3A_57] : memref<425984x32xf32, #tpu.memory_space<hbm>> -> memref<256x32xf32, #tpu.memory_space<hbm>>
    %dma_wait3A_59 = arith.constant 0 : i32
    %dma_wait3A_60 = arith.constant 0 : i32
    %dma_wait3A_61 = tpu.memref_slice %arg4[%dma_wait3A_59, %dma_wait3A_60] : memref<425984x32xf32, #tpu.memory_space<hbm>> -> memref<256x32xf32, #tpu.memory_space<hbm>>
    %dma_wait3A_62 = arith.constant 0 : i32
    %dma_wait3A_63 = arith.constant 0 : i32
    %dma_wait3A_64 = tpu.memref_slice %arg6[%dma_wait3A_50, %dma_wait3A_51, %dma_wait3A_62, %dma_wait3A_63] : memref<2x2x256x32xf32, #tpu.memory_space<vmem>> -> memref<1x1x256x32xf32, #tpu.memory_space<vmem>>
    %dma_wait3A_65 = tpu.memref_squeeze %dma_wait3A_64 : memref<1x1x256x32xf32, #tpu.memory_space<vmem>> -> memref<256x32xf32, #tpu.memory_space<vmem>>
    tpu.wait_dma2 semaphore(%arg10 : memref<!tpu.dma_semaphore, #tpu.memory_space<semaphore_mem>>) src(%dma_wait3A_65 : memref<256x32xf32, #tpu.memory_space<vmem>>) dst(%dma_wait3A_61 : memref<256x32xf32, #tpu.memory_space<hbm>>)
    return
  }
}

</mosaic_0001>

<sc_bundles>
// kernel: kernel.3.cloned.1.call-start
scs
__scs_entry_jumppad:
0x0: {  	(pc) =	sbr.rel $0x88, $3  }
0x1: {  	(tag) =	ssettag $0x0;
	lr =	simm.s32 $0x1  }
0x2: {  	[smem:$0x3F9F] =	sst lr;
	_ =	strace $0xD0000000  }
0x3: {  	_ = 	snop  }
0x4: {  	_ = 	snop  }
0x5: {  	_ = 	snop  }
0x6: {  	_ = 	snop  }
0x7: {  	_ = 	snop  }
__scs_overlays_trampoline_lowered:
0x8: {  	[smem:$0x3FAE] =	sst s0  }
0x9: {  	[smem:$0x3FAF] =	sst s1  }
0xa: {  	[smem:$0x3FB0] =	sst s2  }
0xb: {  	[smem:$0x3FB1] =	sst s3  }
0xc: {  	[smem:$0x3FB2] =	sst s4  }
0xd: {  	[smem:$0x3FB3] =	sst s5  }
0xe: {  	[smem:$0x3FB4] =	sst s6  }
0xf: {  	[smem:$0x3FB5] =	sst s7  }
0x10: {  	[smem:$0x3FB6] =	sst s8  }
0x11: {  	[smem:$0x3FB7] =	sst s9;
	s0 =	simm.s32 @!p0 $0x0  }
0x12: {  	s1 =	sld [smem:$0x3F9D];
	s0 =	simm.s32 @p0 $0x1  }
0x13: {  	[smem:$0x3FB8] =	sst s0;
	s0 =	simm.s32 @!p1 $0x0  }
0x14: {  	s2 =	sld [smem:$0x3F9C];
	s0 =	simm.s32 @p1 $0x1  }
0x15: {  	[smem:$0x3FB9] =	sst s0;
	s0 =	simm.s32 @!p2 $0x0  }
0x16: {  	s3 =	sld [smem:$0x3FDB];
	s0 =	simm.s32 @p2 $0x1  }
0x17: {  	s4 =	simm.s32 $0x1BF5;
	[smem:$0x3FBB] =	sst s0  }
0x18: {  	s0 =	sld [smem:$0x3F9E];
	_ =	swait.ge [sflag:s4], $0x0  }
0x19: {  	s7 =	sld [smem:$0x3F9F]  }
0x1a: {  	s8 =	sadd.s32 $0xFFFFE003, lr  }
0x1b: {  	s9 =	sadd.s32 $0xFFFFFEF7, lr;
	s5 =	simm.s32 $0xFFFFFFFF;
	p2 =	slt.u32 s8, $0xFFFFF086  }
0x1c: {  	p1 =	slt.u32 s9, $0xF7A;
	s5 =	simm.s32 @!p2 $0x0  }
0x1d: {  	s5 =	simm.s32 @p1 $0x1;
	p0 =	seq.s32 s7, s2  }
0x1e: {  	s7 =	smul.u32 @!p0 $0xF7A, s2;
	p2 =	seq.s32 @!p0 s5, $0x0  }
0x1f: {  	s9 =	smul.u32 $0xF7A, s1;
	s8 =	simm.s32 @!p0 $0x1BF5;
	p2 =	por !p2, p0  }
0x20: {  	[sflag:s8] =	ssyncset.s32 @!p0 $0xFFFFF086;
	s6 =	sadd.s32 @!p0 s3, s7;
	s7 =	simm.s32 @!p0 $0x108  }
0x21: {  	s3 =	sadd.s32 s3, s9;
	s6 =	sadd.s32 @!p0 $0x88, s6;
	s7 =	simm.s32 @p2 $0x1082  }
0x22: {  	[simem:s7], [sflag:s8] =	dma.local @!p0 [hbm:s6], $0xF7A  }
0x23: {  	s9 =	sor.u32 $0xD0000000, s2;
	s6 =	simm.s32 $0x108;
	_ =	swait.ge @!p0 [sflag:s8], $0x0  }
0x24: {  	s3 =	sadd.s32 $0x88, s3;
	s6 =	simm.s32 @!p1 $0x1082;
	[sflag:s4] =	ssyncset.s32 $0xFFFFF086  }
0x25: {  	[simem:s6], [sflag:s4] =	dma.local [hbm:s3], $0xF7A  }
0x26: {  	[smem:$0x3F9F] =	sst s1;
	(tag) =	ssettag s2;
	_ =	strace s9  }
0x27: {  	s1 =	sld [smem:$0x3FAF]  }
0x28: {  	s2 =	sld [smem:$0x3FB0]  }
0x29: {  	s4 =	sld [smem:$0x3FB2]  }
0x2a: {  	p0 =	seq.s32 s5, $0x0;
	s5 =	sld [smem:$0x3FB3]  }
0x2b: {  	s6 =	sld [smem:$0x3FB4]  }
0x2c: {  	s7 =	sld [smem:$0x3FB5]  }
0x2d: {  	s3 =	simm.s32 $0x108;
	s8 =	sld [smem:$0x3FB6]  }
0x2e: {  	s3 =	simm.s32 @!p0 $0x1082;
	s9 =	sld [smem:$0x3FB7]  }
0x2f: {  	lr =	sadd.s32 s0, s3;
	s0 =	sld [smem:$0x3FAE]  }
0x30: {  	s3 =	sld [smem:$0x3FB1]  }
0x31: {  	[smem:$0x3FBA] =	sst s10  }
0x32: {  	s10 =	sld [smem:$0x3FB8];
	_ =	sdelay $0x3  }
0x33: {  	p0 =	seq.s32 s10, $0x1;
	s10 =	sld [smem:$0x3FBA];
	_ =	sdelay $0x3  }
0x34: {  	[smem:$0x3FBA] =	sst s10  }
0x35: {  	s10 =	sld [smem:$0x3FB9];
	_ =	sdelay $0x3  }
0x36: {  	p1 =	seq.s32 s10, $0x1;
	s10 =	sld [smem:$0x3FBA];
	_ =	sdelay $0x3  }
0x37: {  	[smem:$0x3FBA] =	sst s10  }
0x38: {  	s10 =	sld [smem:$0x3FBB]  }
0x39: {  	_ = 	snop;
	(pc) =	sbr.ind lr, $3  }
0x3a: {  	_ = 	snop  }
0x3b: {  	_ = 	snop  }
0x3c: {  	p2 =	seq.s32 s10, $0x1;
	s10 =	sld [smem:$0x3FBA]  }
0x3d: {  	_ =	shalt  }
0x3e: {  	_ =	shalt  }
0x3f: {  	_ =	shalt  }
0x40: {  	_ =	shalt  }
0x41: {  	_ =	shalt  }
0x42: {  	_ =	shalt  }
0x43: {  	_ =	shalt  }
0x44: {  	_ =	shalt  }
0x45: {  	_ =	shalt  }
0x46: {  	_ =	shalt  }
0x47: {  	_ =	shalt  }
0x48: {  	_ =	shalt  }
0x49: {  	_ =	shalt  }
0x4a: {  	_ =	shalt  }
0x4b: {  	_ =	shalt  }
0x4c: {  	_ =	shalt  }
0x4d: {  	_ =	shalt  }
0x4e: {  	_ =	shalt  }
0x4f: {  	_ =	shalt  }
0x50: {  	_ =	shalt  }
0x51: {  	_ =	shalt  }
0x52: {  	_ =	shalt  }
0x53: {  	_ =	shalt  }
0x54: {  	_ =	shalt  }
0x55: {  	_ =	shalt  }
0x56: {  	_ =	shalt  }
0x57: {  	_ =	shalt  }
0x58: {  	_ =	shalt  }
0x59: {  	_ =	shalt  }
0x5a: {  	_ =	shalt  }
0x5b: {  	_ =	shalt  }
0x5c: {  	_ =	shalt  }
0x5d: {  	_ =	shalt  }
0x5e: {  	_ =	shalt  }
0x5f: {  	_ =	shalt  }
0x60: {  	_ =	shalt  }
0x61: {  	_ =	shalt  }
0x62: {  	_ =	shalt  }
0x63: {  	_ =	shalt  }
0x64: {  	_ =	shalt  }
0x65: {  	_ =	shalt  }
0x66: {  	_ =	shalt  }
0x67: {  	_ =	shalt  }
0x68: {  	_ =	shalt  }
0x69: {  	_ =	shalt  }
0x6a: {  	_ =	shalt  }
0x6b: {  	_ =	shalt  }
0x6c: {  	_ =	shalt  }
0x6d: {  	_ =	shalt  }
0x6e: {  	_ =	shalt  }
0x6f: {  	_ =	shalt  }
0x70: {  	_ =	shalt  }
0x71: {  	_ =	shalt  }
0x72: {  	_ =	shalt  }
0x73: {  	_ =	shalt  }
0x74: {  	_ =	shalt  }
0x75: {  	_ =	shalt  }
0x76: {  	_ =	shalt  }
0x77: {  	_ =	shalt  }
0x78: {  	_ =	shalt  }
0x79: {  	_ =	shalt  }
0x7a: {  	_ =	shalt  }
0x7b: {  	_ =	shalt  }
0x7c: {  	_ =	shalt  }
0x7d: {  	_ =	shalt  }
0x7e: {  	_ =	shalt  }
0x7f: {  	_ =	shalt  }
0x80: {  	_ =	shalt  }
0x81: {  	_ =	shalt  }
0x82: {  	_ =	shalt  }
0x83: {  	_ =	shalt  }
0x84: {  	_ =	shalt  }
0x85: {  	_ =	shalt  }
0x86: {  	_ =	shalt  }
0x87: {  	_ =	shalt  }
.Lfunc_end0:
.L_simem_size_0:
called_computation.1_lowered:
.L_overlay_start_0:
0x88: {  	s2 =	sld [smem:$0x3FD9]  }
0x89: {  	s3 =	sld [smem:$0x3FFE];
	_ =	sdelay $0x1  }
0x8a: {  	s1 =	srdreg.scid  }
0x8b: {  	s0 =	sand.u32 $0x1, s1  }
0x8c: {  	s17 =	sshll.u32 s0, $0xA;
	s2 =	sadd.s32 s3, s2  }
0x8d: {  	s2 =	sadd.s32 s2, s17  }
0x8e: {  	[smem:$0x3FC6] =	sst s2  }
0x8f: {  	_ = 	snop  }
0x90: {  	s2 =	sld [smem:$0x3FD0];
	(tm) =	ssettm $0x1  }
0x91: {  	s18 =	sld [smem:$0x3FFB];
	_ =	sdelay $0x3  }
0x92: {  	_ =	strace s18  }
0x93: {  	s3 =	sld [smem:$0x3FFC];
	_ =	sdelay $0x3  }
0x94: {  	_ =	strace s3  }
0x95: {  	s3 =	sld [smem:$0x3FFD];
	_ =	sdelay $0x3  }
0x96: {  	_ =	strace s3  }
0x97: {  	_ =	strace $0x8FFFFFFF  }
0x98: {  	s19 =	sld [smem:$0x3FDB];
	_ =	sdelay $0x1  }
0x99: {  	s4 =	simm.s32 $_scs_section_size  }
0x9a: {  	s5 =	simm.s32 $_size__tile_overlayer_lowered;
	s6 =	simm.s32 $_tile_overlayer_lowered  }
0x9b: {  	s22 =	simm.s32 $0x1BFF;
	s21 =	sshll.u32 s6, $0x1;
	s3 =	sadd.s32 s4, s19  }
0x9c: {  	s7 =	simm.s32 $0x0;
	s20 =	sshll.u32 s5, $0x1;
	s5 =	sadd.s32 s21, s3  }
0x9d: {  	[timem:s7], [sflag:s22] =	dma.local [hbm:s5], s20  }
0x9e: {  	_ =	swait.ge [sflag:s22], s20  }
0x9f: {  	s4 =	ssub.s32 $0x0, s20;
	[sflag:s22] =	ssyncset.done $0x0  }
0xa0: {  	[sflag:s22] =	ssyncadd.s32 s4;
	_ =	sdelay $0x1  }
0xa1: {  	s23 =	simm.s32 $0x1B8B  }
0xa2: {  	_ =	swait.ge [sflag:s23], $0x1  }
0xa3: {  	[sflag:s23] =	ssyncset.done $0x0  }
0xa4: {  	s25 =	simm.s32 $0x1B8E;
	s24 =	sld [smem:$0x3FFE];
	[sflag:s23] =	ssyncadd.s32 $0xFFFFFFFF  }
0xa5: {  	s26 =	simm.s32 $execute0_lowered;
	[smem:$0x3FD2] =	sst s25  }
0xa6: {  	s5 =	sshll.u32 s26, $0x1;
	_ =	strace $0x80000046;
	[dreg:$0x1] =	wrdreg $0xFFFFFFFF  }
0xa7: {  	s28 =	simm.s32 $_size_execute0_lowered;
	s3 =	sadd.s32 s3, s5;
	[dreg:$0x0] =	wrdreg $0x0  }
0xa8: {  	s5 =	sshll.u32 s28, $0x1;
	[dreg:$0x2] =	wrdreg s3  }
0xa9: {  	[dreg:$0x3] =	wrdreg s5  }
0xaa: {  	[dreg:$0x4] =	wrdreg $0xC0  }
0xab: {  	_ =	task [dreg:s7], $0x5FFFF  }
0xac: {  	[dreg:$0x1] =	wrdreg $0xFFFFFFFF  }
0xad: {  	[dreg:$0x0] =	wrdreg $0x60  }
0xae: {  	[dreg:$0x2] =	wrdreg s24  }
0xaf: {  	[dreg:$0x3] =	wrdreg s2  }
0xb0: {  	[dreg:$0x4] =	wrdreg $0x9  }
0xb1: {  	_ =	task.clear_ibuf [dreg:s7], $0x5FFFF;
	_ =	strace $0x90000046  }
0xb2: {  	s29 =	simm.s32 $0x9;
	_ =	strace $0x80000048  }
0xb3: {  	_ =	swait.ge [sflag:s29], $0x1  }
0xb4: {  	[sflag:s29] =	ssyncadd.s32 $0xFFFFFFFF  }
0xb5: {  	_ =	strace $0x90000048  }
0xb6: {  	_ =	sfence  }
0xb7: {  	s30 =	sld [smem:$0x0];
	_ =	sdelay $0x2  }
0xb8: {  	s31 =	sshll.u32 s1, $0xD;
	s1 =	sshrl.u32 s1, $0x2  }
0xb9: {  	s3 =	sand.u32 $0x4000, s31;
	s1 =	sadd.s32 s1, s30  }
0xba: {  	s0 =	sor.u32 s3, s0;
	s1 =	sshll.u32 s1, $0x11  }
0xbb: {  	s0 =	sor.u32 s1, s0  }
0xbc: {  	s0 =	sadd.s32 $0x8F2B, s0  }
0xbd: {  	[sflag:s0] =	ssyncadd.remote.s32 $0x1  }
0xbe: {  	_ =	sfence.sel $0xFFFF  }
0xbf: {  	[dreg:$0x0] =	wrdreg $0xFFFFFFFF;
	(pc) =	sbr.abs _section_cstart, $3  }
0xc0: {  	[dreg:$0x1] =	wrdreg $0xFFFFFFFF  }
0xc1: {  	_ =	task.clear_ibuf [dreg:s7], $0x2FFFF;
	_ =	strace $0x9FFFFFFF  }
0xc2: {  	(tm) =	ssettm $0x7FFFFFFF  }
0xc3: {  	_ =	shalt  }
tec
execute0_lowered:
.L_overlay_start_1:
0x0: {  	(tag) =	ssettag $0x1  }
0x1: {  	s0 =	srdreg.scid;
	s1 =	rddreg [dreg:$0x0]  }
0x2: {  	s17 =	stileid.u32;
	s15 =	rddreg [dreg:$0x1];
	s18 =	simm.s32 $0x3400  }
0x3: {  	s19 =	simm.s32 $0x5400;
	s21 =	simm.s32 $0x7400;
	s29 =	simm.s32 $0x2  }
0x4: {  	s30 =	simm.s32 $0x4;
	s0 =	sand.u32 $0x1, s0;
	s14 =	smul.u32 $0x68, s17  }
0x5: {  	s2 =	sshll.u32 s17, $0x1;
	s13 =	sadd.s32 $0x400, s15;
	s26 =	smul.u32 $0x1A000, s17  }
0x6: {  	s17 =	simm.s32 $0x100;
	s4 =	sor.u32 s0, s2;
	s16 =	smul.u32 $0x34, s0  }
0x7: {  	s2 =	simm.s32 $0x0;
	s6 =	ssub.s32 $0x2, s0;
	s0 =	smul.u32 $0xD000, s0  }
0x8: {  	s3 =	smul.u32 $0x680, s4;
	[smem:$0x7FF] =	sst s2;
	s23 =	sshrl.u32 s6, $0x1  }
0x9: {  	s12 =	smul.u32 $0xD000, s4;
	_ =	strace $0x80000047;
	s14 =	sadd.s32 s16, s14  }
0xa: {  	s5 =	sadd.s32 s3, s1;
	s3 =	sadd.s32 $0x27AD000, s1;
	s1 =	ssub.s32 s6, s23  }
0xb: {  	s6 =	sadd.s32 s15, s12;
	s24 =	sor.u32 $0x800, s12;
	s7 =	sadd.s32 s12, s13  }
0xc: {  	s25 =	sadd.s32 $0xC000, s12;
	s28 =	sadd.s32 $0xC800, s12;
	s16 =	sshll.u32 s14, $0xA  }
0xd: {  	s23 =	simm.s32 $0x9400;
	s4 =	sadd.s32 $0xC00, s5;
	s5 =	smax.u32 s1, $0x1  }
0xe: {  	s8 =	sadd.s32 s15, s24;
	s9 =	sadd.s32 s24, s13;
	s10 =	sadd.s32 s15, s25  }
0xf: {  	s11 =	sadd.s32 s25, s13;
	s12 =	sadd.s32 s15, s28;
	s1 =	sadd.s32 s26, s15  }
0x10: {  	s13 =	sadd.s32 s28, s13;
	s31 =	sadd.s32 s15, s16;
	s16 =	simm.s32 $0x5  }
0x11: {  	s24 =	simm.s32 $0x1;
	s25 =	simm.s32 $0x3;
	s14 =	sadd.s32 s0, s1  }
0x12: {  	s15 =	sadd.s32 $0x1800, s31;
	s1 =	simm.s32 $0x3300;
	s0 =	simm.s32 $0x0  }
.LBB2_1:
0x13: {  	[tilespmem:s2], [sflag:$0x5] =	stream.linear.gather [hbm4b:s4+s2], $0x3400, $0x38;
	[tilespmem:$0xB400] =	vst v63  }
0x14: {  	_ =	swait.ge [sflag:s16], $0x3400  }
0x15: {  	[sflag:s16] =	ssyncset.done $0x0  }
0x16: {  	[sflag:s16] =	ssyncadd.s32 $0xFFFFCC00  }
0x17: {  	[tilespmem:s18], [sflag:$0x1] =	stream.indirect.gather [hbm4b:s3+s17], $0x20, s2, s17, $0xb8;
	[tilespmem:$0xB400] =	vst v63  }
0x18: {  	_ = 	snop  }
0x19: {  	[tilespmem:s19], [sflag:$0x1] =	stream.indirect.gather [hbm4b:s3+s17], $0x20, s17, s17, $0xb8;
	[tilespmem:$0xB400] =	vst v63  }
0x1a: {  	s20 =	simm.s32 $0x200  }
0x1b: {  	[tilespmem:s21], [sflag:$0x2] =	stream.indirect.gather [hbm4b:s3+s17], $0x20, s20, s17, $0xb8;
	[tilespmem:$0xB400] =	vst v63  }
0x1c: {  	s28 =	simm.s32 $0x300  }
0x1d: {  	[tilespmem:s23], [sflag:$0x2] =	stream.indirect.gather [hbm4b:s3+s17], $0x20, s28, s17, $0xb8;
	[tilespmem:$0xB400] =	vst v63  }
0x1e: {  	_ =	swait.ge [sflag:s24], $0x2000  }
0x1f: {  	[sflag:s24] =	ssyncset.done $0x0  }
0x20: {  	[sflag:s24] =	ssyncadd.s32 $0xFFFFE000  }
0x21: {  	_ =	swait.ge [sflag:s24], $0x2000  }
0x22: {  	[sflag:s24] =	ssyncset.done $0x0  }
0x23: {  	[sflag:s24] =	ssyncadd.s32 $0xFFFFE000  }
0x24: {  	[hbm4b:s6+s2] =	stream.linear.scatter [tilespmem:s18], [sflag:$0x3], $0x2000, $0x38;
	[tilespmem:$0xB400] =	vst v63  }
0x25: {  	_ = 	snop  }
0x26: {  	[hbm4b:s7+s2] =	stream.linear.scatter [tilespmem:s19], [sflag:$0x3], $0x2000, $0x38;
	[tilespmem:$0xB400] =	vst v63  }
0x27: {  	_ =	swait.ge [sflag:s25], $0x2000  }
0x28: {  	[sflag:s25] =	ssyncset.done $0x0  }
0x29: {  	[sflag:s25] =	ssyncadd.s32 $0xFFFFE000  }
0x2a: {  	_ =	swait.ge [sflag:s25], $0x2000  }
0x2b: {  	[sflag:s25] =	ssyncset.done $0x0  }
0x2c: {  	s31 =	simm.s32 $0x400;
	[sflag:s25] =	ssyncadd.s32 $0xFFFFE000  }
0x2d: {  	[tilespmem:s18], [sflag:$0x1] =	stream.indirect.gather [hbm4b:s3+s17], $0x20, s31, s17, $0xb8;
	[tilespmem:$0xB400] =	vst v63  }
0x2e: {  	s22 =	simm.s32 $0x500  }
0x2f: {  	[tilespmem:s19], [sflag:$0x1] =	stream.indirect.gather [hbm4b:s3+s17], $0x20, s22, s17, $0xb8;
	[tilespmem:$0xB400] =	vst v63  }
0x30: {  	_ =	swait.ge [sflag:s29], $0x2000  }
0x31: {  	[sflag:s29] =	ssyncset.done $0x0  }
0x32: {  	[sflag:s29] =	ssyncadd.s32 $0xFFFFE000  }
0x33: {  	_ =	swait.ge [sflag:s29], $0x2000  }
0x34: {  	[sflag:s29] =	ssyncset.done $0x0  }
0x35: {  	[sflag:s29] =	ssyncadd.s32 $0xFFFFE000  }
0x36: {  	[hbm4b:s8+s2] =	stream.linear.scatter [tilespmem:s21], [sflag:$0x4], $0x2000, $0x38;
	[tilespmem:$0xB400] =	vst v63  }
0x37: {  	_ = 	snop  }
0x38: {  	[hbm4b:s9+s2] =	stream.linear.scatter [tilespmem:s23], [sflag:$0x4], $0x2000, $0x38;
	[tilespmem:$0xB400] =	vst v63  }
0x39: {  	_ =	swait.ge [sflag:s30], $0x2000  }
0x3a: {  	[sflag:s30] =	ssyncset.done $0x0  }
0x3b: {  	[sflag:s30] =	ssyncadd.s32 $0xFFFFE000  }
0x3c: {  	_ =	swait.ge [sflag:s30], $0x2000  }
0x3d: {  	[sflag:s30] =	ssyncset.done $0x0  }
0x3e: {  	s26 =	simm.s32 $0x600;
	[sflag:s30] =	ssyncadd.s32 $0xFFFFE000  }
0x3f: {  	[tilespmem:s21], [sflag:$0x2] =	stream.indirect.gather [hbm4b:s3+s17], $0x20, s26, s17, $0xb8;
	[tilespmem:$0xB400] =	vst v63  }
0x40: {  	s28 =	simm.s32 $0x700  }
0x41: {  	[tilespmem:s23], [sflag:$0x2] =	stream.indirect.gather [hbm4b:s3+s17], $0x20, s28, s17, $0xb8;
	[tilespmem:$0xB400] =	vst v63  }
0x42: {  	_ =	swait.ge [sflag:s24], $0x2000  }
0x43: {  	[sflag:s24] =	ssyncset.done $0x0  }
0x44: {  	[sflag:s24] =	ssyncadd.s32 $0xFFFFE000  }
0x45: {  	_ =	swait.ge [sflag:s24], $0x2000  }
0x46: {  	s31 =	sadd.s32 $0x0, s14;
	[sflag:s24] =	ssyncset.done $0x0  }
0x47: {  	s22 =	sadd.s32 $0x1000, s31;
	[sflag:s24] =	ssyncadd.s32 $0xFFFFE000  }
0x48: {  	[hbm4b:s22+s2] =	stream.linear.scatter [tilespmem:s18], [sflag:$0x3], $0x2000, $0x38;
	[tilespmem:$0xB400] =	vst v63  }
0x49: {  	s20 =	sadd.s32 $0x1400, s31  }
0x4a: {  	[hbm4b:s20+s2] =	stream.linear.scatter [tilespmem:s19], [sflag:$0x3], $0x2000, $0x38;
	[tilespmem:$0xB400] =	vst v63  }
0x4b: {  	_ =	swait.ge [sflag:s25], $0x2000  }
0x4c: {  	[sflag:s25] =	ssyncset.done $0x0  }
0x4d: {  	[sflag:s25] =	ssyncadd.s32 $0xFFFFE000  }
0x4e: {  	_ =	swait.ge [sflag:s25], $0x2000  }
0x4f: {  	[sflag:s25] =	ssyncset.done $0x0  }
0x50: {  	s26 =	simm.s32 $0x800;
	[sflag:s25] =	ssyncadd.s32 $0xFFFFE000  }
0x51: {  	[tilespmem:s18], [sflag:$0x1] =	stream.indirect.gather [hbm4b:s3+s17], $0x20, s26, s17, $0xb8;
	[tilespmem:$0xB400] =	vst v63  }
0x52: {  	s28 =	simm.s32 $0x900  }
0x53: {  	[tilespmem:s19], [sflag:$0x1] =	stream.indirect.gather [hbm4b:s3+s17], $0x20, s28, s17, $0xb8;
	[tilespmem:$0xB400] =	vst v63  }
0x54: {  	_ =	swait.ge [sflag:s29], $0x2000  }
0x55: {  	[sflag:s29] =	ssyncset.done $0x0  }
0x56: {  	[sflag:s29] =	ssyncadd.s32 $0xFFFFE000  }
0x57: {  	_ =	swait.ge [sflag:s29], $0x2000  }
0x58: {  	s31 =	sadd.s32 $0x0, s15;
	[sflag:s29] =	ssyncset.done $0x0  }
0x59: {  	s22 =	sadd.s32 $0x400, s31;
	s20 =	simm.s32 $0x1000;
	[sflag:s29] =	ssyncadd.s32 $0xFFFFE000  }
0x5a: {  	[hbm4b:s31+s2] =	stream.linear.scatter [tilespmem:s21], [sflag:$0x4], $0x2000, $0x38;
	[tilespmem:$0xB400] =	vst v63  }
.LBB2_2:
0x5b: {  	[hbm4b:s22+s2] =	stream.linear.scatter [tilespmem:s23], [sflag:$0x4], $0x2000, $0x38;
	[tilespmem:$0xB400] =	vst v63  }
0x5c: {  	s22 =	smov.u32 s20  }
0x5d: {  	p0 =	sne.s32 s20, $0xA000;
	s20 =	sadd.s32 $0x1000, s20;
	_ =	swait.ge [sflag:s30], $0x2000  }
0x5e: {  	[sflag:s30] =	ssyncset.done $0x0  }
0x5f: {  	[sflag:s30] =	ssyncadd.s32 $0xFFFFE000  }
0x60: {  	_ =	swait.ge [sflag:s30], $0x2000  }
0x61: {  	s26 =	sshra.s32 s22, $0x2;
	[sflag:s30] =	ssyncset.done $0x0  }
0x62: {  	s28 =	sadd.s32 $0x600, s26;
	[sflag:s30] =	ssyncadd.s32 $0xFFFFE000  }
0x63: {  	[tilespmem:s21], [sflag:$0x2] =	stream.indirect.gather [hbm4b:s3+s17], $0x20, s28, s17, $0xb8;
	[tilespmem:$0xB400] =	vst v63  }
0x64: {  	s28 =	sadd.s32 $0x700, s26  }
0x65: {  	[tilespmem:s23], [sflag:$0x2] =	stream.indirect.gather [hbm4b:s3+s17], $0x20, s28, s17, $0xb8;
	[tilespmem:$0xB400] =	vst v63  }
0x66: {  	_ =	swait.ge [sflag:s24], $0x2000  }
0x67: {  	[sflag:s24] =	ssyncset.done $0x0  }
0x68: {  	[sflag:s24] =	ssyncadd.s32 $0xFFFFE000  }
0x69: {  	_ =	swait.ge [sflag:s24], $0x2000  }
0x6a: {  	s28 =	sadd.s32 s22, s14;
	[sflag:s24] =	ssyncset.done $0x0  }
0x6b: {  	s31 =	sadd.s32 $0x1000, s28;
	[sflag:s24] =	ssyncadd.s32 $0xFFFFE000  }
0x6c: {  	[hbm4b:s31+s2] =	stream.linear.scatter [tilespmem:s18], [sflag:$0x3], $0x2000, $0x38;
	[tilespmem:$0xB400] =	vst v63  }
0x6d: {  	s28 =	sadd.s32 $0x1400, s28  }
0x6e: {  	[hbm4b:s28+s2] =	stream.linear.scatter [tilespmem:s19], [sflag:$0x3], $0x2000, $0x38;
	[tilespmem:$0xB400] =	vst v63  }
0x6f: {  	_ =	swait.ge [sflag:s25], $0x2000  }
0x70: {  	[sflag:s25] =	ssyncset.done $0x0  }
0x71: {  	[sflag:s25] =	ssyncadd.s32 $0xFFFFE000  }
0x72: {  	_ =	swait.ge [sflag:s25], $0x2000  }
0x73: {  	[sflag:s25] =	ssyncset.done $0x0  }
0x74: {  	s28 =	sadd.s32 $0x800, s26;
	[sflag:s25] =	ssyncadd.s32 $0xFFFFE000  }
0x75: {  	[tilespmem:s18], [sflag:$0x1] =	stream.indirect.gather [hbm4b:s3+s17], $0x20, s28, s17, $0xb8;
	[tilespmem:$0xB400] =	vst v63  }
0x76: {  	s26 =	sadd.s32 $0x900, s26  }
0x77: {  	[tilespmem:s19], [sflag:$0x1] =	stream.indirect.gather [hbm4b:s3+s17], $0x20, s26, s17, $0xb8;
	[tilespmem:$0xB400] =	vst v63  }
0x78: {  	_ =	swait.ge [sflag:s29], $0x2000  }
0x79: {  	[sflag:s29] =	ssyncset.done $0x0  }
0x7a: {  	[sflag:s29] =	ssyncadd.s32 $0xFFFFE000  }
.Ltmp0:
0x7b: {  	_ =	swait.ge [sflag:s29], $0x2000;
	(pc) =	sbr.rel @p0 .LBB2_2-.Ltmp0, $4  }
0x7c: {  	[sflag:s29] =	ssyncset.done $0x0  }
0x7d: {  	s22 =	sadd.s32 s22, s15;
	[sflag:s29] =	ssyncadd.s32 $0xFFFFE000  }
0x7e: {  	[hbm4b:s22+s2] =	stream.linear.scatter [tilespmem:s21], [sflag:$0x4], $0x2000, $0x38;
	[tilespmem:$0xB400] =	vst v63  }
0x7f: {  	s22 =	sadd.s32 $0x400, s22  }
0x80: {  	[hbm4b:s22+s2] =	stream.linear.scatter [tilespmem:s23], [sflag:$0x4], $0x2000, $0x38;
	[tilespmem:$0xB400] =	vst v63  }
0x81: {  	_ =	swait.ge [sflag:s30], $0x2000  }
0x82: {  	[sflag:s30] =	ssyncset.done $0x0  }
0x83: {  	[sflag:s30] =	ssyncadd.s32 $0xFFFFE000  }
0x84: {  	_ =	swait.ge [sflag:s30], $0x2000  }
0x85: {  	[sflag:s30] =	ssyncset.done $0x0  }
0x86: {  	s20 =	simm.s32 $0x3200;
	[sflag:s30] =	ssyncadd.s32 $0xFFFFE000  }
0x87: {  	[tilespmem:s21], [sflag:$0x2] =	stream.indirect.gather [hbm4b:s3+s17], $0x20, s20, s17, $0xb8;
	[tilespmem:$0xB400] =	vst v63  }
0x88: {  	_ = 	snop  }
0x89: {  	[tilespmem:s23], [sflag:$0x2] =	stream.indirect.gather [hbm4b:s3+s17], $0x20, s1, s17, $0xb8;
	[tilespmem:$0xB400] =	vst v63  }
0x8a: {  	_ =	swait.ge [sflag:s24], $0x2000  }
0x8b: {  	[sflag:s24] =	ssyncset.done $0x0  }
0x8c: {  	[sflag:s24] =	ssyncadd.s32 $0xFFFFE000  }
0x8d: {  	_ =	swait.ge [sflag:s24], $0x2000  }
0x8e: {  	[sflag:s24] =	ssyncset.done $0x0  }
0x8f: {  	[sflag:s24] =	ssyncadd.s32 $0xFFFFE000  }
0x90: {  	[hbm4b:s10+s2] =	stream.linear.scatter [tilespmem:s18], [sflag:$0x3], $0x2000, $0x38;
	[tilespmem:$0xB400] =	vst v63  }
0x91: {  	_ = 	snop  }
0x92: {  	[hbm4b:s11+s2] =	stream.linear.scatter [tilespmem:s19], [sflag:$0x3], $0x2000, $0x38;
	[tilespmem:$0xB400] =	vst v63  }
0x93: {  	_ =	swait.ge [sflag:s25], $0x2000  }
0x94: {  	[sflag:s25] =	ssyncset.done $0x0  }
0x95: {  	[sflag:s25] =	ssyncadd.s32 $0xFFFFE000  }
0x96: {  	_ =	swait.ge [sflag:s25], $0x2000  }
0x97: {  	[sflag:s25] =	ssyncset.done $0x0  }
0x98: {  	[sflag:s25] =	ssyncadd.s32 $0xFFFFE000  }
0x99: {  	_ =	swait.ge [sflag:s29], $0x2000  }
0x9a: {  	[sflag:s29] =	ssyncset.done $0x0  }
0x9b: {  	[sflag:s29] =	ssyncadd.s32 $0xFFFFE000  }
0x9c: {  	_ =	swait.ge [sflag:s29], $0x2000  }
0x9d: {  	[sflag:s29] =	ssyncset.done $0x0  }
0x9e: {  	[sflag:s29] =	ssyncadd.s32 $0xFFFFE000  }
0x9f: {  	[hbm4b:s12+s2] =	stream.linear.scatter [tilespmem:s21], [sflag:$0x4], $0x2000, $0x38;
	[tilespmem:$0xB400] =	vst v63  }
0xa0: {  	s0 =	sadd.s32 $0x1, s0  }
0xa1: {  	[hbm4b:s13+s2] =	stream.linear.scatter [tilespmem:s23], [sflag:$0x4], $0x2000, $0x38;
	[tilespmem:$0xB400] =	vst v63  }
0xa2: {  	p0 =	sne.s32 s0, s5;
	_ =	swait.ge [sflag:s30], $0x2000  }
.Ltmp1:
0xa3: {  	[sflag:s30] =	ssyncset.done $0x0;
	(pc) =	sbr.rel @p0 .LBB2_1-.Ltmp1, $4  }
0xa4: {  	[sflag:s30] =	ssyncadd.s32 $0xFFFFE000  }
0xa5: {  	_ =	swait.ge [sflag:s30], $0x2000  }
0xa6: {  	[sflag:s30] =	ssyncset.done $0x0  }
0xa7: {  	[sflag:s30] =	ssyncadd.s32 $0xFFFFE000  }
0xa8: {  	_ =	sfence.sel $0x180000  }
0xa9: {  	[bflag:$0x0] =	sbarrier.arrive $0xFFFF  }
0xaa: {  	_ =	strace $0x90000047  }
0xab: {  	s0 =	stileid.u32;
	[bflag:$0x2] =	sbarrier.arrive $0xFFFF  }
0xac: {  	p0 =	sne.s32 s0, $0x0;
	s0 =	rddreg [dreg:$0x2]  }
0xad: {  	s0 =	sadd.s32 @!p0 $0x100000, s0  }
0xae: {  	[sflag:s0] =	ssyncadd.tile.s32 @!p0 $0x1;
	_ =	shalt  }
.Lfunc_end2:
_tile_overlayer_lowered:
.L_overlay_start_2:
0xaf: {  	(tag) =	ssettag $0x2  }
0xb0: {  	s0 =	rddreg [dreg:$0x0];
	s2 =	stileid.u32  }
0xb1: {  	s1 =	rddreg [dreg:$0x1];
	p0 =	sne.s32 s2, $0x0  }
0xb2: {  	s3 =	rddreg [dreg:$0x2];
	[bflag:$0x3] =	sbarrier.arrive $0xFFFF;
	s2 =	simm.s32 @!p0 $0x1C05  }
0xb3: {  	[timem:s3], [sflag:s2] =	dma.local @!p0 [hbm:s0], s1  }
0xb4: {  	s0 =	simm.s32 @!p0 $0x5  }
0xb5: {  	_ =	swait.ge @!p0 [sflag:s0], s1  }
0xb6: {  	s1 =	ssub.s32 @!p0 $0x0, s1;
	[sflag:s0] =	ssyncset.done @!p0 $0x0  }
0xb7: {  	[sflag:s0] =	ssyncadd.s32 @!p0 s1  }
0xb8: {  	[bflag:$0x3] =	sbarrier.arrive $0xFFFF  }
0xb9: {  	_ =	shalt  }

// kernel: sparse-core-data-format-call.cloned.1.call-start
scs
called_computation_lowered:
.L_overlay_start_0:
0x0: {  	s2 =	sld [smem:$0x3FD9]  }
0x1: {  	s3 =	sld [smem:$0x3FFE];
	_ =	sdelay $0x1  }
0x2: {  	s1 =	srdreg.scid  }
0x3: {  	s0 =	sand.u32 $0x1, s1  }
0x4: {  	s18 =	sshll.u32 s0, $0xA;
	s2 =	sadd.s32 s3, s2  }
0x5: {  	s2 =	sadd.s32 s2, s18  }
0x6: {  	[smem:$0x3FC6] =	sst s2  }
0x7: {  	_ = 	snop  }
0x8: {  	s2 =	sld [smem:$0x3FD0];
	(tm) =	ssettm $0x1  }
0x9: {  	s19 =	sld [smem:$0x3FFB];
	_ =	sdelay $0x3  }
0xa: {  	_ =	strace s19  }
0xb: {  	s3 =	sld [smem:$0x3FFC];
	_ =	sdelay $0x3  }
0xc: {  	_ =	strace s3  }
0xd: {  	s3 =	sld [smem:$0x3FFD];
	_ =	sdelay $0x3  }
0xe: {  	_ =	strace s3  }
0xf: {  	_ =	strace $0x8FFFFFFF  }
0x10: {  	s20 =	sld [smem:$0x3FDB];
	_ =	sdelay $0x1  }
0x11: {  	s4 =	simm.s32 $_scs_section_size  }
0x12: {  	s5 =	simm.s32 $_size__tile_overlayer_lowered;
	s6 =	simm.s32 $_tile_overlayer_lowered  }
0x13: {  	s23 =	simm.s32 $0x1BFF;
	s22 =	sshll.u32 s6, $0x1;
	s3 =	sadd.s32 s4, s20  }
0x14: {  	s7 =	simm.s32 $0x0;
	s21 =	sshll.u32 s5, $0x1;
	s5 =	sadd.s32 s22, s3  }
0x15: {  	[timem:s7], [sflag:s23] =	dma.local [hbm:s5], s21  }
0x16: {  	_ =	swait.ge [sflag:s23], s21  }
0x17: {  	s4 =	ssub.s32 $0x0, s21;
	[sflag:s23] =	ssyncset.done $0x0  }
0x18: {  	[sflag:s23] =	ssyncadd.s32 s4;
	_ =	sdelay $0x1  }
0x19: {  	s24 =	simm.s32 $0x1B8B  }
0x1a: {  	_ =	swait.ge [sflag:s24], $0x1  }
0x1b: {  	[sflag:s24] =	ssyncset.done $0x0  }
0x1c: {  	s26 =	simm.s32 $0x1B8E;
	s25 =	sld [smem:$0x3FFE];
	[sflag:s24] =	ssyncadd.s32 $0xFFFFFFFF  }
0x1d: {  	s27 =	simm.s32 $execute0_lowered;
	[smem:$0x3FD2] =	sst s26  }
0x1e: {  	s5 =	sshll.u32 s27, $0x1;
	_ =	strace $0x80000049;
	[dreg:$0x1] =	wrdreg $0xFFFFFFFF  }
0x1f: {  	s28 =	simm.s32 $_size_execute0_lowered;
	s3 =	sadd.s32 s3, s5;
	[dreg:$0x0] =	wrdreg $0x0  }
0x20: {  	s5 =	sshll.u32 s28, $0x1;
	[dreg:$0x2] =	wrdreg s3  }
0x21: {  	[dreg:$0x3] =	wrdreg s5  }
0x22: {  	[dreg:$0x4] =	wrdreg $0xC0  }
0x23: {  	_ =	task [dreg:s7], $0x5FFFF  }
0x24: {  	[dreg:$0x1] =	wrdreg $0xFFFFFFFF  }
0x25: {  	[dreg:$0x0] =	wrdreg $0x60  }
0x26: {  	[dreg:$0x2] =	wrdreg s25  }
0x27: {  	[dreg:$0x3] =	wrdreg s2  }
0x28: {  	[dreg:$0x4] =	wrdreg $0x9  }
0x29: {  	_ =	task.clear_ibuf [dreg:s7], $0x5FFFF;
	_ =	strace $0x90000049  }
0x2a: {  	s29 =	simm.s32 $0x9;
	_ =	strace $0x8000004B  }
0x2b: {  	_ =	swait.ge [sflag:s29], $0x1  }
0x2c: {  	[sflag:s29] =	ssyncadd.s32 $0xFFFFFFFF  }
0x2d: {  	_ =	strace $0x9000004B  }
0x2e: {  	_ =	sfence  }
0x2f: {  	s30 =	sld [smem:$0x0];
	_ =	sdelay $0x2  }
0x30: {  	s31 =	sshll.u32 s1, $0xD;
	s1 =	sshrl.u32 s1, $0x2  }
0x31: {  	s3 =	sand.u32 $0x4000, s31;
	s1 =	sadd.s32 s1, s30  }
0x32: {  	s0 =	sor.u32 s3, s0;
	s1 =	sshll.u32 s1, $0x11  }
0x33: {  	s0 =	sor.u32 s1, s0  }
0x34: {  	s0 =	sadd.s32 $0x8F2B, s0  }
0x35: {  	[sflag:s0] =	ssyncadd.remote.s32 $0x1  }
0x36: {  	_ =	sfence.sel $0xFFFF  }
0x37: {  	[dreg:$0x0] =	wrdreg $0xFFFFFFFF;
	(pc) =	sbr.abs _section_cstart, $3  }
0x38: {  	[dreg:$0x1] =	wrdreg $0xFFFFFFFF  }
0x39: {  	_ =	task.clear_ibuf [dreg:s7], $0x2FFFF;
	_ =	strace $0x9FFFFFFF  }
0x3a: {  	(tm) =	ssettm $0x7FFFFFFF  }
0x3b: {  	_ =	shalt  }
tec
execute0_lowered:
.L_overlay_start_1:
0x0: {  	(tag) =	ssettag $0x1  }
0x1: {  	s0 =	srdreg.scid  }
0x2: {  	s1 =	sshll.u32 s0, $0x4  }
0x3: {  	s6 =	rddreg [dreg:$0x0];
	s0 =	stileid.u32;
	s1 =	sand.u32 $0x10, s1  }
0x4: {  	s3 =	rddreg [dreg:$0x1];
	s1 =	sor.u32 s0, s1  }
0x5: {  	s5 =	simm.s32 $0x1;
	s31 =	simm.s32 $0x2;
	s2 =	sshll.u32 s1, $0x7  }
0x6: {  	s15 =	simm.s32 $0x0;
	s8 =	simm.s32 $0x20000;
	s4 =	ssub.s32 $0x4000, s2  }
0x7: {  	s14 =	simm.s32 $0x0;
	s9 =	simm.s32 $0x0;
	s30 =	sand.u32 $0xF80, s4  }
0x8: {  	s10 =	simm.s32 $0x0;
	s11 =	simm.s32 $0x0;
	p0 =	sne.s32 s30, $0x0  }
.Ltmp0:
0x9: {  	s7 =	sshrl.u32 s4, $0xC;
	s5 =	simm.s32 @!p0 $0x0;
	(pc) =	sbr.rel .LBB1_1-.Ltmp0, $4  }
0xa: {  	s13 =	simm.s32 $0x0;
	s1 =	rddreg [dreg:$0x2];
	s5 =	sadd.s32 s5, s7  }
0xb: {  	_ =	strace $0x8000004A;
	s4 =	simm.s32 $0x1;
	s5 =	smul.u32 $0x7, s5  }
0xc: {  	s6 =	sadd.s32 $0xC00, s6;
	s12 =	smov.u32 s2;
	[sflag:s4] =	ssyncpa.u1 $0x0  }
0xd: {  	[sflag:s31] =	ssyncpa.u1 $0x0;
	p0 =	por $0x0, $0x0;
	s7 =	sadd.s32 $0x1, s5  }
.LBB1_4:
0xe: {  	s20 =	sshra.s32 s20, $0x2  }
0xf: {  	s28 =	sand.u32 $0x78, s10;
	s21 =	sshll.u32 s9, $0xE;
	s22 =	sshll.u32 s10, $0x3  }
0x10: {  	s24 =	sshll.u32 s9, $0x7;
	p1 =	sgt.s32 s9, $0x2C0;
	s30 =	sshra.s32 s9, $0x1F  }
0x11: {  	s26 =	sshra.s32 s10, $0x1F;
	s19 =	sadd.s32 s20, s19;
	s21 =	sand.u32 $0xFFFE0000, s21  }
0x12: {  	v5 =	vld [tilespmem:s17+$0xFFFFFFD0];
	[tilespmem:s18+$0x2040 ss:$0x81] =	vst.msk $0xffff, v4;
	s23 =	sand.u32 $0xFFFFFC00, s22;
	s29 =	sand.u32 $0x380, s24;
	s22 =	sand.u32 $0x3C00, s22  }
0x13: {  	v58 =	vld [tilespmem:s17+$0xFFFFFFE0];
	[tilespmem:s18+$0x2850 ss:$0x81] =	vst.msk $0xffff, v3;
	s21 =	sadd.s32 s23, s21;
	s20 =	sor.u32 s28, s22;
	s22 =	smov.u32 s9  }
0x14: {  	v59 =	vld [tilespmem:s17+$0xFFFFFFF0];
	[tilespmem:s18+$0x3060 ss:$0x81] =	vst.msk $0xffff, v2;
	s24 =	sand.u32 s30, s9;
	s21 =	sshrl.u32 s21, $0xE;
	s22 =	simm.s32 @!p1 $0x2C0  }
0x15: {  	v60 =	vld [tilespmem:s17+$0x0];
	[tilespmem:s18+$0x0 ss:$0x81] =	vst.msk $0xffff, v1;
	p1 =	sgt.s32 s10, $0x3F80;
	s31 =	ssub.s32 s22, s24;
	s22 =	smov.u32 s10  }
0x16: {  	v61 =	vld [tilespmem:s17+$0x10];
	[tilespmem:s19+$0x3870 ss:$0x81] =	vst.msk $0xffff, v0;
	s25 =	smulhi.u32 $0x4EC4ED, s21;
	s24 =	sand.u32 s26, s10;
	s22 =	simm.s32 @!p1 $0x3F80  }
0x17: {  	v62 =	vld [tilespmem:s17+$0x20];
	s20 =	sor.u32 s29, s20;
	[tilespmem:s19+$0x810 ss:$0x81] =	vst.msk $0xffff, v5;
	s27 =	sadd.s32 $0xFFFFFD40, s31;
	s22 =	ssub.s32 s22, s24  }
0x18: {  	v63 =	vld [tilespmem:s17+$0xFFFFFFC0];
	[tilespmem:s19+$0x1020 ss:$0x81] =	vst.msk $0xffff, v58;
	s18 =	ssub.s32 $0x340, s31;
	s28 =	smul.u32 $0x340, s25;
	s29 =	sadd.s32 $0xFFFFC080, s22  }
0x19: {  	[tilespmem:s19+$0x1830 ss:$0x81] =	vst.msk $0xffff, v59;
	p1 =	sgt.s32 s27, $0x7F;
	s22 =	ssub.s32 $0x4000, s22;
	p2 =	sgt.s32 s29, $0x7F  }
0x1a: {  	s30 =	sand.u32 $0x7, s10;
	[tilespmem:s19+$0x2040 ss:$0x81] =	vst.msk $0xffff, v60;
	s18 =	simm.s32 @p1 $0x0;
	s22 =	simm.s32 @p2 $0x0  }
0x1b: {  	s20 =	sshrl.u32 s20, $0x3;
	[tilespmem:s19+$0x2850 ss:$0x81] =	vst.msk $0xffff, v61;
	s17 =	ssub.s32 s21, s28;
	s18 =	smul.u32 s22, s18  }
0x1c: {  	[tilespmem:s19+$0x3060 ss:$0x81] =	vst.msk $0xffff, v62;
	s20 =	sadd.s32 s3, s20;
	s21 =	sshll.u32 s30, $0x12;
	s17 =	sshll.u32 s17, $0xB  }
0x1d: {  	[tilespmem:s19+$0x0 ss:$0x81] =	vst.msk $0xffff, v63;
	s31 =	sor.u32 $0x400, s21;
	s17 =	sadd.s32 s17, s20;
	s18 =	sand.u32 $0x3FFFFFFF, s18  }
0x1e: {  	[hbm4b:s17+s31] =	stream.strided.scatter [tilespmem:s16], [sflag:$0x2], s18, s8, s31, $0x20;
	[tilespmem:$0x10100] =	vst v63  }
.LBB1_5:
0x1f: {  	p1 =	slt.u32 s13, $0x2  }
0x20: {  	s17 =	smov.u32 s15;
	p2 =	sgt.s32 @!p1 s15, $0x2C0;
	s16 =	sshra.s32 @!p1 s15, $0x1F  }
0x21: {  	p3 =	sgt.s32 @!p1 s14, $0x3F80;
	s18 =	sshra.s32 @!p1 s14, $0x1F;
	p2 =	por !p2, p1  }
0x22: {  	s15 =	sand.u32 @!p1 s16, s15;
	p3 =	por !p3, p1;
	s16 =	smov.u32 s14  }
0x23: {  	s14 =	sand.u32 @!p1 s18, s14;
	s17 =	simm.s32 @p2 $0x2C0;
	s16 =	simm.s32 @p3 $0x3F80  }
0x24: {  	s15 =	ssub.s32 @!p1 s17, s15;
	s14 =	ssub.s32 @!p1 s16, s14  }
0x25: {  	s18 =	smov.u32 s12;
	s16 =	sadd.s32 @!p1 $0xFFFFFD40, s15;
	s17 =	sadd.s32 @!p1 $0xFFFFC080, s14  }
0x26: {  	s15 =	ssub.s32 @!p1 $0x340, s15;
	p2 =	sgt.s32 @!p1 s16, $0x7F;
	p3 =	sgt.s32 @!p1 s17, $0x7F  }
0x27: {  	s14 =	ssub.s32 @!p1 $0x4000, s14;
	p2 =	por !p2, p1;
	p3 =	por !p3, p1  }
0x28: {  	s16 =	sadd.s32 $0x80, s11;
	s15 =	simm.s32 @!p2 $0x0;
	s14 =	simm.s32 @!p3 $0x0  }
0x29: {  	p2 =	sgt.s32 s16, $0x33F;
	s14 =	smul.u32 @!p1 s14, s15;
	s15 =	sadd.s32 $0x1000, s12  }
0x2a: {  	s18 =	smov.u32 @p2 s15  }
0x2b: {  	s16 =	simm.s32 @p2 $0x0;
	p2 =	sgt.s32 s18, $0x3FFF  }
0x2c: {  	s18 =	smov.u32 @p2 s2;
	p2 =	sne.s32 s13, s7  }
.Ltmp1:
0x2d: {  	p0 =	por !p0, !p0;
	s17 =	simm.s32 @!p1 $0x2;
	(pc) =	sbr.rel @!p2 .LBB1_6-.Ltmp1, $4  }
0x2e: {  	s15 =	smov.u32 s9;
	s9 =	smov.u32 s11;
	s14 =	sand.u32 @!p1 $0x3FFFFFFF, s14  }
0x2f: {  	s11 =	smov.u32 s16;
	_ =	swait.ge @!p1 [sflag:s17], s14;
	s19 =	ssub.s32 @!p1 $0x0, s14  }
0x30: {  	s14 =	smov.u32 s10;
	s13 =	sadd.s32 $0x1, s13;
	[sflag:s17] =	ssyncset.done @!p1 $0x0  }
0x31: {  	s10 =	smov.u32 s12;
	s12 =	smov.u32 s18;
	[sflag:s17] =	ssyncadd.s32 @!p1 s19  }
.LBB1_1:
0x32: {  	p1 =	sge.u32 s13, s5  }
0x33: {  	s16 =	sshrl.u32 @!p1 s12, $0x3  }
0x34: {  	s17 =	sshll.u32 @!p1 s11, $0x3;
	s16 =	smul.u32 @!p1 $0x1C00, s16  }
0x35: {  	s18 =	sshll.u32 @!p1 s12, $0x7;
	s17 =	sand.u32 @!p1 $0xFFFFFC00, s17  }
0x36: {  	s16 =	sadd.s32 @!p1 s16, s17;
	s17 =	sand.u32 @!p1 $0x380, s18  }
0x37: {  	s16 =	sor.u32 @!p1 s17, s16  }
0x38: {  	s17 =	sshrl.u32 @!p1 s16, $0x7  }
0x39: {  	s17 =	smulhi.u32 @!p1 $0x24924925, s17;
	_ =	sdelay $0x1  }
0x3a: {  	s18 =	sand.u32 @!p1 $0x7F, s11;
	s19 =	smul.u32 @!p1 $0x380, s17  }
0x3b: {  	s31 =	sadd.s32 $0xFFFFFFFF, s13;
	s16 =	sor.u32 @!p1 s18, s16;
	s18 =	sxor.u32 @!p1 $0xFFFFFFFF, s13  }
0x3c: {  	s18 =	sshll.u32 @!p1 s18, $0xE;
	s17 =	sand.u32 @!p1 $0x3FFF, s17;
	s16 =	ssub.s32 @!p1 s16, s19  }
0x3d: {  	s17 =	smul.u32 @!p1 $0x70, s17;
	s19 =	sshrl.u32 @!p1 s16, $0x3;
	s16 =	sand.u32 @!p1 $0x7, s16  }
0x3e: {  	s18 =	sand.u32 @!p1 $0x4000, s18;
	s19 =	sadd.s32 @!p1 s6, s19;
	s16 =	sshll.u32 @!p1 s16, $0x12  }
0x3f: {  	s17 =	sadd.s32 @!p1 s17, s19;
	s16 =	sor.u32 @!p1 $0x400, s16;
	s19 =	simm.s32 @!p1 $0x1C00  }
0x40: {  	[tilespmem:s18], [sflag:$0x1] =	stream.strided.gather @!p1 [hbm4b:s17+s16], $0x4000, s19, s16, $0x38;
	[tilespmem:$0x10100] =	vst v63  }
0x41: {  	p1 =	sge.u32 s31, s5  }
.Ltmp2:
0x42: {  	_ = 	snop;
	(pc) =	sbr.rel @p1 .LBB1_5-.Ltmp2, $1  }
0x43: {  	_ =	sdelay $0x3  }
0x44: {  	s16 =	simm.s32 $0x1  }
0x45: {  	_ =	swait.ge [sflag:s4], $0x4000;
	s16 =	simm.s32 @!p0 $0x0  }
0x46: {  	[sflag:s4] =	ssyncset.done $0x0;
	s17 =	sshll.u32 s16, $0xE  }
0x47: {  	[sflag:s4] =	ssyncadd.s32 $0xFFFFC000;
	s17 =	sor.u32 $0x40, s17  }
0x48: {  	s16 =	smul.u32 $0x10200, s16;
	v0 =	vld [tilespmem:s17+$0x30]  }
0x49: {  	v1 =	vld [tilespmem:s17+$0xFFFFFFD0]  }
0x4a: {  	s16 =	sshrl.u32 s16, $0x2;
	v5 =	vld [tilespmem:s17+$0xFFFFFFE0]  }
0x4b: {  	v6 =	vld [tilespmem:s17+$0xFFFFFFF0];
	s19 =	sor.u32 $0x8000, s16  }
0x4c: {  	s31 =	sand.u32 $0x1, s13;
	v4 =	vld [tilespmem:s17+$0x0];
	s18 =	sadd.s32 $0x0, s19  }
0x4d: {  	v3 =	vld [tilespmem:s17+$0x10];
	s16 =	smul.u32 $0x10200, s31;
	[tilespmem:s18+$0x3870 ss:$0x81] =	vst.msk $0xffff, v0  }
0x4e: {  	v2 =	vld [tilespmem:s17+$0x20];
	[tilespmem:s18+$0x810 ss:$0x81] =	vst.msk $0xffff, v1  }
0x4f: {  	s16 =	sshrl.u32 s16, $0x2;
	v1 =	vld [tilespmem:s17+$0xFFFFFFC0];
	[tilespmem:s18+$0x1020 ss:$0x81] =	vst.msk $0xffff, v5;
	s17 =	sadd.s32 $0x80, s17  }
0x50: {  	s20 =	simm.s32 $0x4;
	s21 =	simm.s32 $0x8;
	s16 =	sor.u32 $0x8000, s16;
	[tilespmem:s18+$0x1830 ss:$0x81] =	vst.msk $0xffff, v6;
	v0 =	vld [tilespmem:s17+$0x30]  }
.LBB1_3:
0x51: {  	p1 =	sne.s32 s21, $0x1FC;
	v5 =	vld [tilespmem:s17+$0xFFFFFFD0];
	[tilespmem:s18+$0x2040 ss:$0x81] =	vst.msk $0xffff, v4  }
0x52: {  	v6 =	vld [tilespmem:s17+$0xFFFFFFE0];
	[tilespmem:s18+$0x2850 ss:$0x81] =	vst.msk $0xffff, v3  }
0x53: {  	s22 =	sshra.s32 s20, $0x2;
	s20 =	smov.u32 s21;
	v7 =	vld [tilespmem:s17+$0xFFFFFFF0];
	[tilespmem:s18+$0x3060 ss:$0x81] =	vst.msk $0xffff, v2  }
.Ltmp3:
0x54: {  	v4 =	vld [tilespmem:s17+$0x0];
	[tilespmem:s18+$0x0 ss:$0x81] =	vst.msk $0xffff, v1;
	s18 =	sadd.s32 s22, s19;
	(pc) =	sbr.rel @p1 .LBB1_3-.Ltmp3, $4  }
0x55: {  	v3 =	vld [tilespmem:s17+$0x10];
	[tilespmem:s18+$0x3870 ss:$0x81] =	vst.msk $0xffff, v0  }
0x56: {  	[tilespmem:s18+$0x810 ss:$0x81] =	vst.msk $0xffff, v5;
	v2 =	vld [tilespmem:s17+$0x20]  }
0x57: {  	v1 =	vld [tilespmem:s17+$0xFFFFFFC0];
	[tilespmem:s18+$0x1020 ss:$0x81] =	vst.msk $0xffff, v6;
	s17 =	sadd.s32 $0x80, s17  }
0x58: {  	s21 =	sadd.s32 $0x4, s21;
	v0 =	vld [tilespmem:s17+$0x30];
	[tilespmem:s18+$0x1830 ss:$0x81] =	vst.msk $0xffff, v7  }
.Ltmp4:
0x59: {  	_ = 	snop;
	(pc) =	sbr.rel .LBB1_4-.Ltmp4, $1  }
0x5a: {  	_ =	sdelay $0x3  }
.LBB1_6:
0x5b: {  	_ =	sfence.sel $0x180000  }
0x5c: {  	s2 =	simm.s32 $0x1;
	[bflag:$0x0] =	sbarrier.arrive $0xFFFF  }
0x5d: {  	s31 =	simm.s32 $0x2;
	[sflag:s2] =	ssyncpa.u1 $0x1  }
0x5e: {  	[sflag:s31] =	ssyncpa.u1 $0x1  }
0x5f: {  	p0 =	sne.s32 s0, $0x0;
	_ =	strace $0x9000004A  }
0x60: {  	s0 =	sadd.s32 @!p0 $0x100000, s1;
	[bflag:$0x2] =	sbarrier.arrive $0xFFFF  }
0x61: {  	[sflag:s0] =	ssyncadd.tile.s32 @!p0 $0x1;
	_ =	shalt  }
.Lfunc_end1:
_tile_overlayer_lowered:
.L_overlay_start_2:
0x62: {  	(tag) =	ssettag $0x2  }
0x63: {  	s0 =	rddreg [dreg:$0x0];
	s2 =	stileid.u32  }
0x64: {  	s1 =	rddreg [dreg:$0x1];
	p0 =	sne.s32 s2, $0x0  }
0x65: {  	s3 =	rddreg [dreg:$0x2];
	[bflag:$0x3] =	sbarrier.arrive $0xFFFF;
	s2 =	simm.s32 @!p0 $0x1C01  }
0x66: {  	[timem:s3], [sflag:s2] =	dma.local @!p0 [hbm:s0], s1  }
0x67: {  	s0 =	simm.s32 @!p0 $0x1  }
0x68: {  	_ =	swait.ge @!p0 [sflag:s0], s1  }
0x69: {  	s1 =	ssub.s32 @!p0 $0x0, s1;
	[sflag:s0] =	ssyncset.done @!p0 $0x0  }
0x6a: {  	[sflag:s0] =	ssyncadd.s32 @!p0 s1  }
0x6b: {  	[bflag:$0x3] =	sbarrier.arrive $0xFFFF  }
0x6c: {  	_ =	shalt  }

</sc_bundles>
